<compile_context>
chip_gen: v7x
topology: tpu7x:2x2x1
jax: 0.10.2.dev20260603
libtpu: 0.0.44.dev20260713+nightly
codegen_flags: <defaults>
</compile_context>

<pallas_src>
import dataclasses
import functools

import jax
import jax.numpy as jnp
from jax import lax
from jax.experimental import pallas as pl
from jax.experimental.pallas import tpu as pltpu
from jax.experimental.pallas import tpu_sc as plsc

N = 65536
NNZ = 4294967

NC = 2
NS = 16
NW = NC * NS

CHUNK = 4096
CROWS = CHUNK // 128
STEPS = NNZ // (NW * CHUNK)
MAIN = STEPS * NW * CHUNK
PAIRS = STEPS // 2

LAST = NNZ - (NNZ % 8)
TAILSZ = LAST - MAIN
CT = -(-TAILSZ // NW)
WCAP = ((NNZ - CHUNK) // 8) * 8

PER_TILE = STEPS * CHUNK


def _make_sc_kernel():
    mesh = plsc.VectorSubcoreMesh(
        core_axis_name="c", subcore_axis_name="s", num_cores=NC, num_subcores=NS
    )

    cp = pltpu.CompilerParams()
    if "needs_layout_passes" in pltpu.CompilerParams.__dataclass_fields__:
        cp = dataclasses.replace(cp, needs_layout_passes=False)

    @functools.partial(
        pl.kernel,
        out_type=jax.ShapeDtypeStruct((NC, N), jnp.float32),
        mesh=mesh,
        compiler_params=cp,
        scratch_types=[
            pltpu.VMEM((N,), jnp.float32),
            [pltpu.VMEM((CHUNK,), jnp.float32)] * 2,
            [pltpu.VMEM((CHUNK,), jnp.int32)] * 2,
            [pltpu.VMEM((CHUNK,), jnp.int32)] * 2,
            [pltpu.VMEM((CHUNK,), jnp.float32)] * 2,
            pltpu.VMEM((16,), jnp.float32),
            pltpu.VMEM((16,), jnp.int32),
            pltpu.VMEM((16,), jnp.int32),
            pltpu.VMEM((16,), jnp.float32),
            pltpu.VMEM((N // NS,), jnp.float32),
            pltpu.VMEM_SHARED((N,), jnp.float32),
            [pltpu.SemaphoreType.DMA] * 2,
            [pltpu.SemaphoreType.DMA] * 2,
        ],
    )
    def sc_spmv(x_hbm, vals_hbm, cols_hbm, rows_hbm,
                lv_hbm, lc_hbm, lr_hbm,
                out_hbm,
                x_tile, vals_bufs, cols_bufs, rows_bufs, contrib_bufs,
                v16, c16, r16, k16,
                zbuf, acc, sems_in, sems_sc):
        cid = lax.axis_index("c")
        sid = lax.axis_index("s")
        wid = cid * NS + sid

        def fire_in(p, elem_base):
            elem_base = pl.multiple_of(elem_base, 8)
            pltpu.async_copy(vals_hbm.at[pl.ds(elem_base, CHUNK)],
                             vals_bufs[p], sems_in[p])
            pltpu.async_copy(cols_hbm.at[pl.ds(elem_base, CHUNK)],
                             cols_bufs[p], sems_in[p])
            pltpu.async_copy(rows_hbm.at[pl.ds(elem_base, CHUNK)],
                             rows_bufs[p], sems_in[p])

        def wait_in(p):
            pltpu.make_async_copy(vals_hbm.at[pl.ds(0, CHUNK)],
                                  vals_bufs[p], sems_in[p]).wait()
            pltpu.make_async_copy(cols_hbm.at[pl.ds(0, CHUNK)],
                                  cols_bufs[p], sems_in[p]).wait()
            pltpu.make_async_copy(rows_hbm.at[pl.ds(0, CHUNK)],
                                  rows_bufs[p], sems_in[p]).wait()

        def compute(p):
            vals_b, cols_b, contrib_b = vals_bufs[p], cols_bufs[p], contrib_bufs[p]

            @pl.loop(0, CROWS)
            def _(j):
                @pl.loop(0, 128, step=16, unroll=8)
                def _(c):
                    i = j * 128 + c
                    cv = cols_b[pl.ds(i, 16)]
                    xg = plsc.load_gather(x_tile, [cv])
                    vv = vals_b[pl.ds(i, 16)]
                    contrib_b[pl.ds(i, 16)] = vv * xg

        def compute_masked(p, wstart, lo, hi):
            vals_b, cols_b, contrib_b = vals_bufs[p], cols_bufs[p], contrib_bufs[p]
            lane = lax.iota(jnp.int32, 16)
            zero = jnp.zeros((16,), jnp.float32)

            @pl.loop(0, CROWS)
            def _(j):
                @pl.loop(0, 128, step=16, unroll=4)
                def _(c):
                    i = j * 128 + c
                    g = (wstart + i) + lane
                    m = (g >= lo) & (g < hi)
                    cv = cols_b[pl.ds(i, 16)]
                    xg = plsc.load_gather(x_tile, [cv])
                    vv = vals_b[pl.ds(i, 16)]
                    contrib_b[pl.ds(i, 16)] = jnp.where(m, vv * xg, zero)

        def fire_sc(p):
            return [pltpu.async_copy(
                contrib_bufs[p],
                acc.at[rows_bufs[p]],
                sems_sc[p], add=True)]

        def drain(ds):
            for d in ds:
                d.wait()

        zero16 = jnp.zeros((16,), jnp.float32)

        @pl.loop(0, N // NS, step=16)
        def _(i):
            zbuf[pl.ds(i, 16)] = zero16

        pltpu.sync_copy(zbuf, acc.at[pl.ds(sid * (N // NS), N // NS)])

        pltpu.sync_copy(x_hbm, x_tile)

        plsc.subcore_barrier()

        fire_in(0, wid * PER_TILE)
        fire_in(1, wid * PER_TILE + CHUNK)

        @pl.loop(0, PAIRS)
        def _(t):
            a = 2 * t
            wait_in(0)
            compute(0)
            ds0 = fire_sc(0)

            wait_in(1)
            compute(1)
            ds1 = fire_sc(1)

            drain(ds0)

            @pl.when(t < PAIRS - 1)
            def _():
                fire_in(0, wid * PER_TILE + (a + 2) * CHUNK)

            drain(ds1)

            @pl.when(t < PAIRS - 1)
            def _():
                fire_in(1, wid * PER_TILE + (a + 3) * CHUNK)

        lo = MAIN + wid * CT
        hi = jnp.minimum(lo + CT, LAST)
        wstart = jnp.minimum(lo - lax.rem(lo, 8), WCAP)
        fire_in(0, wstart)
        wait_in(0)
        compute_masked(0, wstart, lo, hi)
        ds0 = fire_sc(0)

        @pl.when(wid == 0)
        def _():
            pltpu.sync_copy(lv_hbm, v16)
            pltpu.sync_copy(lc_hbm, c16)
            pltpu.sync_copy(lr_hbm, r16)
            lane = lax.iota(jnp.int32, 16)
            m = lane >= (16 - (NNZ % 8))
            cv = c16[...]
            xg = plsc.load_gather(x_tile, [cv])
            k16[...] = jnp.where(m, v16[...] * xg,
                                 jnp.zeros((16,), jnp.float32))
            pltpu.async_copy(k16, acc.at[r16], sems_sc[1], add=True).wait()

        drain(ds0)

        plsc.subcore_barrier()

        sl = N // NS
        pltpu.sync_copy(acc.at[pl.ds(sid * sl, sl)],
                        out_hbm.at[cid, pl.ds(sid * sl, sl)])

    return sc_spmv


_sc_spmv = _make_sc_kernel()


def _tc_add_body(p_ref, o_ref):
    o_ref[...] = p_ref[0] + p_ref[1]


@jax.jit
def kernel(x, A_vals, A_rows, A_cols):
    lv = A_vals[NNZ - 16:]
    lc = A_cols[NNZ - 16:]
    lr = A_rows[NNZ - 16:]

    partials = _sc_spmv(x, A_vals, A_cols, A_rows, lv, lc, lr)

    out = pl.pallas_call(
        _tc_add_body,
        out_shape=jax.ShapeDtypeStruct((512, 128), jnp.float32),
    )(partials.reshape(NC, 512, 128))
    return out.reshape(N)

# --- scband reference (transcript-rebuilt; emitter-appended) ---
"""Pipeline reference for scband-sparse-mat-layer-15530601742411 (READ-ONLY COPY).

The authoritative reference and input builder live on the scoring server;
editing this copy changes nothing except your own understanding.
"""

import jax, jax.numpy as jnp
import numpy as np

N = 65536          # A is [N, N] sparse, density 0.001
NNZ = 4294967      # int(N * N * 0.001)
OUT_SHAPE = (65536,)


def setup_inputs(seed: int = 0) -> dict:
    key = jax.random.key(seed)
    k1, k2, k3, k4 = jax.random.split(key, 4)
    # dense input vector (forward arg)
    x = jax.random.normal(k1, (N,), dtype=jnp.float32)
    # sparse matrix A in COO form (constructor parameter of the module)
    A_rows = jax.random.randint(k2, (NNZ,), 0, N, dtype=jnp.int32)
    A_cols = jax.random.randint(k3, (NNZ,), 0, N, dtype=jnp.int32)
    A_vals = jax.random.normal(k4, (NNZ,), dtype=jnp.float32)
    return {"x": x, "A_vals": A_vals, "A_rows": A_rows, "A_cols": A_cols}


def reference(x, A_vals, A_rows, A_cols):
    # x = x.reshape(A.shape[1], 1)
    xv = x.reshape(N)
    # torch.sparse.mm(A, x): gather x by column index, multiply by nnz values,
    # scatter-add into output rows (SpMV)
    contrib = A_vals * jnp.take(xv, A_cols, axis=0)
    out = jnp.zeros((N,), dtype=jnp.float32).at[A_rows].add(contrib)
    # .reshape(self.out_shape).float()
    return out.reshape(OUT_SHAPE).astype(jnp.float32)

if __name__ == "__main__":
    import jax
    _d = setup_inputs()
    print(jax.jit(kernel)(*tuple(_d.values())))

</pallas_src>

<mosaic_0001>
#map = affine_map<(d0, d1) -> (0)>
#map1 = affine_map<(d0, d1) -> (0, 0)>
module attributes {stable_mosaic.version = 14 : i64} {
  func.func @sc_spmv(%arg0: i32, %arg1: i32, %arg2: memref<65536xf32, #tpu.memory_space<hbm>>, %arg3: memref<4294967xf32, #tpu.memory_space<hbm>>, %arg4: memref<4294967xi32, #tpu.memory_space<hbm>>, %arg5: memref<4294967xi32, #tpu.memory_space<hbm>>, %arg6: memref<16xf32, #tpu.memory_space<hbm>>, %arg7: memref<16xi32, #tpu.memory_space<hbm>>, %arg8: memref<16xi32, #tpu.memory_space<hbm>>, %arg9: memref<2x65536xf32, #tpu.memory_space<hbm>>, %arg10: memref<65536xf32, #tpu.memory_space<vmem>>, %arg11: memref<4096xf32, #tpu.memory_space<vmem>>, %arg12: memref<4096xf32, #tpu.memory_space<vmem>>, %arg13: memref<4096xi32, #tpu.memory_space<vmem>>, %arg14: memref<4096xi32, #tpu.memory_space<vmem>>, %arg15: memref<4096xi32, #tpu.memory_space<vmem>>, %arg16: memref<4096xi32, #tpu.memory_space<vmem>>, %arg17: memref<4096xf32, #tpu.memory_space<vmem>>, %arg18: memref<4096xf32, #tpu.memory_space<vmem>>, %arg19: memref<16xf32, #tpu.memory_space<vmem>>, %arg20: memref<16xi32, #tpu.memory_space<vmem>>, %arg21: memref<16xi32, #tpu.memory_space<vmem>>, %arg22: memref<16xf32, #tpu.memory_space<vmem>>, %arg23: memref<4096xf32, #tpu.memory_space<vmem>>, %arg24: memref<65536xf32, #tpu.memory_space<vmem_shared>>, %arg25: memref<!tpu.dma_semaphore, #tpu.memory_space<semaphore_mem>>, %arg26: memref<!tpu.dma_semaphore, #tpu.memory_space<semaphore_mem>>, %arg27: memref<!tpu.dma_semaphore, #tpu.memory_space<semaphore_mem>>, %arg28: memref<!tpu.dma_semaphore, #tpu.memory_space<semaphore_mem>>) attributes {dimension_semantics = [#tpu.dimension_semantics<core_parallel>, #tpu.dimension_semantics<subcore_parallel>], iteration_bounds = array<i64: 2, 16>, scalar_prefetch = 0 : i64, scratch_operands = 19 : i64, tpu.core_type = #tpu.core_type<sc_vector_subcore>, window_params = [{transform_indices = #map}, {transform_indices = #map}, {transform_indices = #map}, {transform_indices = #map}, {transform_indices = #map}, {transform_indices = #map}, {transform_indices = #map}, {transform_indices = #map1}]} {
    %mul3A = arith.constant 16 : i32
    %mul3A_0 = arith.muli %arg0, %mul3A : i32
    %add3A = arith.addi %mul3A_0, %arg1 : i32
    %broadcast_in_dim3A = arith.constant 0.000000e+00 : f32
    %broadcast_in_dim3A_1 = vector.broadcast %broadcast_in_dim3A : f32 to vector<16xf32>
    %scan3A = arith.constant 0 : i32
    %scan3A_2 = arith.constant 256 : i32
    %scan3A_3 = arith.addi %scan3A, %scan3A_2 : i32
    %scan3A_4 = arith.constant 1 : i32
    scf.for %scan3A_77 = %scan3A to %scan3A_3 step %scan3A_4  : i32 {
      %mul3A_78 = arith.constant 16 : i32
      %mul3A_79 = arith.muli %scan3A_77, %mul3A_78 : i32
      %add3A_80 = arith.constant 0 : i32
      %add3A_81 = arith.addi %add3A_80, %mul3A_79 : i32
      %swap3A = arith.index_cast %add3A_81 : i32 to index
      %swap3A_82 = tpu.vector_load %arg23[%swap3A] {strides = array<i32>} : memref<4096xf32, #tpu.memory_space<vmem>>, vector<16xf32>,
      tpu.vector_store %arg23[%swap3A], %broadcast_in_dim3A_1 {strides = array<i32>} : memref<4096xf32, #tpu.memory_space<vmem>>, vector<16xf32>,
    }
    %scan3A_5 = arith.constant 256 : i32
    %mul3A_6 = arith.constant 4096 : i32
    %mul3A_7 = arith.muli %arg1, %mul3A_6 : i32
    "tpu.region"() ({
      %run_scoped3A = tpu.sem_alloc : memref<!tpu.dma_semaphore, #tpu.memory_space<semaphore_mem>>
      %dma_start3A_77 = tpu.memref_slice %arg24[%mul3A_7] : memref<65536xf32, #tpu.memory_space<vmem_shared>> -> memref<4096xf32, #tpu.memory_space<vmem_shared>>
      %dma_start3A_78 = tpu.memref_slice %arg24[%mul3A_7] : memref<65536xf32, #tpu.memory_space<vmem_shared>> -> memref<4096xf32, #tpu.memory_space<vmem_shared>>
      tpu.enqueue_dma source(%arg23 : memref<4096xf32, #tpu.memory_space<vmem>>) target(%dma_start3A_78 : memref<4096xf32, #tpu.memory_space<vmem_shared>>) target_semaphore(%run_scoped3A : memref<!tpu.dma_semaphore, #tpu.memory_space<semaphore_mem>>)
      %dma_wait3A_79 = tpu.memref_slice %arg24[%mul3A_7] : memref<65536xf32, #tpu.memory_space<vmem_shared>> -> memref<4096xf32, #tpu.memory_space<vmem_shared>>
      %dma_wait3A_80 = tpu.memref_slice %arg24[%mul3A_7] : memref<65536xf32, #tpu.memory_space<vmem_shared>> -> memref<4096xf32, #tpu.memory_space<vmem_shared>>
      tpu.wait_dma2 semaphore(%run_scoped3A : memref<!tpu.dma_semaphore, #tpu.memory_space<semaphore_mem>>) src(%arg23 : memref<4096xf32, #tpu.memory_space<vmem>>) dst(%dma_wait3A_80 : memref<4096xf32, #tpu.memory_space<vmem_shared>>)
      tpu.yield
    }) : () -> ()
    "tpu.region"() ({
      %run_scoped3A = tpu.sem_alloc : memref<!tpu.dma_semaphore, #tpu.memory_space<semaphore_mem>>
      tpu.enqueue_dma source(%arg2 : memref<65536xf32, #tpu.memory_space<hbm>>) target(%arg10 : memref<65536xf32, #tpu.memory_space<vmem>>) target_semaphore(%run_scoped3A : memref<!tpu.dma_semaphore, #tpu.memory_space<semaphore_mem>>)
      tpu.wait_dma2 semaphore(%run_scoped3A : memref<!tpu.dma_semaphore, #tpu.memory_space<semaphore_mem>>) src(%arg2 : memref<65536xf32, #tpu.memory_space<hbm>>) dst(%arg10 : memref<65536xf32, #tpu.memory_space<vmem>>)
      tpu.yield
    }) : () -> ()
    %barrier3A = arith.constant 0 : index
    tpu.barrier barrier_id(%barrier3A)
    %mul3A_8 = arith.constant 131072 : i32
    %mul3A_9 = arith.muli %add3A, %mul3A_8 : i32
    %multiple_of3A = tpu.assume_multiple %mul3A_9, 8 : i32
    %dma_start3A = tpu.memref_slice %arg3[%multiple_of3A] : memref<4294967xf32, #tpu.memory_space<hbm>> -> memref<4096xf32, #tpu.memory_space<hbm>>
    %dma_start3A_10 = tpu.memref_slice %arg3[%multiple_of3A] : memref<4294967xf32, #tpu.memory_space<hbm>> -> memref<4096xf32, #tpu.memory_space<hbm>>
    tpu.enqueue_dma source(%dma_start3A_10 : memref<4096xf32, #tpu.memory_space<hbm>>) target(%arg11 : memref<4096xf32, #tpu.memory_space<vmem>>) target_semaphore(%arg25 : memref<!tpu.dma_semaphore, #tpu.memory_space<semaphore_mem>>)
    %dma_start3A_11 = tpu.memref_slice %arg4[%multiple_of3A] : memref<4294967xi32, #tpu.memory_space<hbm>> -> memref<4096xi32, #tpu.memory_space<hbm>>
    %dma_start3A_12 = tpu.memref_slice %arg4[%multiple_of3A] : memref<4294967xi32, #tpu.memory_space<hbm>> -> memref<4096xi32, #tpu.memory_space<hbm>>
    tpu.enqueue_dma source(%dma_start3A_12 : memref<4096xi32, #tpu.memory_space<hbm>>) target(%arg13 : memref<4096xi32, #tpu.memory_space<vmem>>) target_semaphore(%arg25 : memref<!tpu.dma_semaphore, #tpu.memory_space<semaphore_mem>>)
    %dma_start3A_13 = tpu.memref_slice %arg5[%multiple_of3A] : memref<4294967xi32, #tpu.memory_space<hbm>> -> memref<4096xi32, #tpu.memory_space<hbm>>
    %dma_start3A_14 = tpu.memref_slice %arg5[%multiple_of3A] : memref<4294967xi32, #tpu.memory_space<hbm>> -> memref<4096xi32, #tpu.memory_space<hbm>>
    tpu.enqueue_dma source(%dma_start3A_14 : memref<4096xi32, #tpu.memory_space<hbm>>) target(%arg15 : memref<4096xi32, #tpu.memory_space<vmem>>) target_semaphore(%arg25 : memref<!tpu.dma_semaphore, #tpu.memory_space<semaphore_mem>>)
    %mul3A_15 = arith.constant 131072 : i32
    %mul3A_16 = arith.muli %add3A, %mul3A_15 : i32
    %add3A_17 = arith.constant 4096 : i32
    %add3A_18 = arith.addi %mul3A_16, %add3A_17 : i32
    %multiple_of3A_19 = tpu.assume_multiple %add3A_18, 8 : i32
    %dma_start3A_20 = tpu.memref_slice %arg3[%multiple_of3A_19] : memref<4294967xf32, #tpu.memory_space<hbm>> -> memref<4096xf32, #tpu.memory_space<hbm>>
    %dma_start3A_21 = tpu.memref_slice %arg3[%multiple_of3A_19] : memref<4294967xf32, #tpu.memory_space<hbm>> -> memref<4096xf32, #tpu.memory_space<hbm>>
    tpu.enqueue_dma source(%dma_start3A_21 : memref<4096xf32, #tpu.memory_space<hbm>>) target(%arg12 : memref<4096xf32, #tpu.memory_space<vmem>>) target_semaphore(%arg26 : memref<!tpu.dma_semaphore, #tpu.memory_space<semaphore_mem>>)
    %dma_start3A_22 = tpu.memref_slice %arg4[%multiple_of3A_19] : memref<4294967xi32, #tpu.memory_space<hbm>> -> memref<4096xi32, #tpu.memory_space<hbm>>
    %dma_start3A_23 = tpu.memref_slice %arg4[%multiple_of3A_19] : memref<4294967xi32, #tpu.memory_space<hbm>> -> memref<4096xi32, #tpu.memory_space<hbm>>
    tpu.enqueue_dma source(%dma_start3A_23 : memref<4096xi32, #tpu.memory_space<hbm>>) target(%arg14 : memref<4096xi32, #tpu.memory_space<vmem>>) target_semaphore(%arg26 : memref<!tpu.dma_semaphore, #tpu.memory_space<semaphore_mem>>)
    %dma_start3A_24 = tpu.memref_slice %arg5[%multiple_of3A_19] : memref<4294967xi32, #tpu.memory_space<hbm>> -> memref<4096xi32, #tpu.memory_space<hbm>>
    %dma_start3A_25 = tpu.memref_slice %arg5[%multiple_of3A_19] : memref<4294967xi32, #tpu.memory_space<hbm>> -> memref<4096xi32, #tpu.memory_space<hbm>>
    tpu.enqueue_dma source(%dma_start3A_25 : memref<4096xi32, #tpu.memory_space<hbm>>) target(%arg16 : memref<4096xi32, #tpu.memory_space<vmem>>) target_semaphore(%arg26 : memref<!tpu.dma_semaphore, #tpu.memory_space<semaphore_mem>>)
    %scan3A_26 = arith.constant 0 : i32
    %scan3A_27 = arith.constant 16 : i32
    %scan3A_28 = arith.addi %scan3A_26, %scan3A_27 : i32
    %scan3A_29 = arith.constant 1 : i32
    scf.for %scan3A_77 = %scan3A_26 to %scan3A_28 step %scan3A_29  : i32 {
      %mul3A_78 = arith.constant 1 : i32
      %mul3A_79 = arith.muli %scan3A_77, %mul3A_78 : i32
      %add3A_80 = arith.constant 0 : i32
      %add3A_81 = arith.addi %add3A_80, %mul3A_79 : i32
      %mul3A_82 = arith.constant 2 : i32
      %mul3A_83 = arith.muli %mul3A_82, %add3A_81 : i32
      %dma_wait3A_84 = arith.constant 0 : i32
      %dma_wait3A_85 = tpu.memref_slice %arg3[%dma_wait3A_84] : memref<4294967xf32, #tpu.memory_space<hbm>> -> memref<4096xf32, #tpu.memory_space<hbm>>
      %dma_wait3A_86 = arith.constant 0 : i32
      %dma_wait3A_87 = tpu.memref_slice %arg3[%dma_wait3A_86] : memref<4294967xf32, #tpu.memory_space<hbm>> -> memref<4096xf32, #tpu.memory_space<hbm>>
      tpu.wait_dma2 semaphore(%arg25 : memref<!tpu.dma_semaphore, #tpu.memory_space<semaphore_mem>>) src(%dma_wait3A_87 : memref<4096xf32, #tpu.memory_space<hbm>>) dst(%arg11 : memref<4096xf32, #tpu.memory_space<vmem>>)
      %dma_wait3A_88 = arith.constant 0 : i32
      %dma_wait3A_89 = tpu.memref_slice %arg4[%dma_wait3A_88] : memref<4294967xi32, #tpu.memory_space<hbm>> -> memref<4096xi32, #tpu.memory_space<hbm>>
      %dma_wait3A_90 = arith.constant 0 : i32
      %dma_wait3A_91 = tpu.memref_slice %arg4[%dma_wait3A_90] : memref<4294967xi32, #tpu.memory_space<hbm>> -> memref<4096xi32, #tpu.memory_space<hbm>>
      tpu.wait_dma2 semaphore(%arg25 : memref<!tpu.dma_semaphore, #tpu.memory_space<semaphore_mem>>) src(%dma_wait3A_91 : memref<4096xi32, #tpu.memory_space<hbm>>) dst(%arg13 : memref<4096xi32, #tpu.memory_space<vmem>>)
      %dma_wait3A_92 = arith.constant 0 : i32
      %dma_wait3A_93 = tpu.memref_slice %arg5[%dma_wait3A_92] : memref<4294967xi32, #tpu.memory_space<hbm>> -> memref<4096xi32, #tpu.memory_space<hbm>>
      %dma_wait3A_94 = arith.constant 0 : i32
      %dma_wait3A_95 = tpu.memref_slice %arg5[%dma_wait3A_94] : memref<4294967xi32, #tpu.memory_space<hbm>> -> memref<4096xi32, #tpu.memory_space<hbm>>
      tpu.wait_dma2 semaphore(%arg25 : memref<!tpu.dma_semaphore, #tpu.memory_space<semaphore_mem>>) src(%dma_wait3A_95 : memref<4096xi32, #tpu.memory_space<hbm>>) dst(%arg15 : memref<4096xi32, #tpu.memory_space<vmem>>)
      %scan3A_96 = arith.constant 0 : i32
      %scan3A_97 = arith.constant 32 : i32
      %scan3A_98 = arith.addi %scan3A_96, %scan3A_97 : i32
      %scan3A_99 = arith.constant 1 : i32
      scf.for %scan3A_135 = %scan3A_96 to %scan3A_98 step %scan3A_99  : i32 {
        %mul3A_136 = arith.constant 1 : i32
        %mul3A_137 = arith.muli %scan3A_135, %mul3A_136 : i32
        %add3A_138 = arith.constant 0 : i32
        %add3A_139 = arith.addi %add3A_138, %mul3A_137 : i32
        %scan3A_140 = arith.constant 0 : i32
        %mul3A_141 = arith.constant 16 : i32
        %mul3A_142 = arith.muli %scan3A_140, %mul3A_141 : i32
        %add3A_143 = arith.constant 0 : i32
        %add3A_144 = arith.addi %add3A_143, %mul3A_142 : i32
        %mul3A_145 = arith.constant 128 : i32
        %mul3A_146 = arith.muli %add3A_139, %mul3A_145 : i32
        %add3A_147 = arith.addi %mul3A_146, %add3A_144 : i32
        %get3A = arith.index_cast %add3A_147 : i32 to index
        %get3A_148 = tpu.vector_load %arg13[%get3A] {strides = array<i32>} : memref<4096xi32, #tpu.memory_space<vmem>>, vector<16xi32>,
        %gather3A = tpu.vector_load_idx %arg10[%get3A_148] : memref<65536xf32, #tpu.memory_space<vmem>>[vector<16xi32>], vector<16xf32>,
        %get3A_149 = arith.index_cast %add3A_147 : i32 to index
        %get3A_150 = tpu.vector_load %arg11[%get3A_149] {strides = array<i32>} : memref<4096xf32, #tpu.memory_space<vmem>>, vector<16xf32>,
        %mul3A_151 = arith.mulf %get3A_150, %gather3A : vector<16xf32>
        %swap3A = arith.index_cast %add3A_147 : i32 to index
        %swap3A_152 = tpu.vector_load %arg17[%swap3A] {strides = array<i32>} : memref<4096xf32, #tpu.memory_space<vmem>>, vector<16xf32>,
        tpu.vector_store %arg17[%swap3A], %mul3A_151 {strides = array<i32>} : memref<4096xf32, #tpu.memory_space<vmem>>, vector<16xf32>,
        %scan3A_153 = arith.constant 1 : i32
        %mul3A_154 = arith.constant 16 : i32
        %mul3A_155 = arith.muli %scan3A_153, %mul3A_154 : i32
        %add3A_156 = arith.constant 0 : i32
        %add3A_157 = arith.addi %add3A_156, %mul3A_155 : i32
        %mul3A_158 = arith.constant 128 : i32
        %mul3A_159 = arith.muli %add3A_139, %mul3A_158 : i32
        %add3A_160 = arith.addi %mul3A_159, %add3A_157 : i32
        %get3A_161 = arith.index_cast %add3A_160 : i32 to index
        %get3A_162 = tpu.vector_load %arg13[%get3A_161] {strides = array<i32>} : memref<4096xi32, #tpu.memory_space<vmem>>, vector<16xi32>,
        %gather3A_163 = tpu.vector_load_idx %arg10[%get3A_162] : memref<65536xf32, #tpu.memory_space<vmem>>[vector<16xi32>], vector<16xf32>,
        %get3A_164 = arith.index_cast %add3A_160 : i32 to index
        %get3A_165 = tpu.vector_load %arg11[%get3A_164] {strides = array<i32>} : memref<4096xf32, #tpu.memory_space<vmem>>, vector<16xf32>,
        %mul3A_166 = arith.mulf %get3A_165, %gather3A_163 : vector<16xf32>
        %swap3A_167 = arith.index_cast %add3A_160 : i32 to index
        %swap3A_168 = tpu.vector_load %arg17[%swap3A_167] {strides = array<i32>} : memref<4096xf32, #tpu.memory_space<vmem>>, vector<16xf32>,
        tpu.vector_store %arg17[%swap3A_167], %mul3A_166 {strides = array<i32>} : memref<4096xf32, #tpu.memory_space<vmem>>, vector<16xf32>,
        %scan3A_169 = arith.constant 2 : i32
        %mul3A_170 = arith.constant 16 : i32
        %mul3A_171 = arith.muli %scan3A_169, %mul3A_170 : i32
        %add3A_172 = arith.constant 0 : i32
        %add3A_173 = arith.addi %add3A_172, %mul3A_171 : i32
        %mul3A_174 = arith.constant 128 : i32
        %mul3A_175 = arith.muli %add3A_139, %mul3A_174 : i32
        %add3A_176 = arith.addi %mul3A_175, %add3A_173 : i32
        %get3A_177 = arith.index_cast %add3A_176 : i32 to index
        %get3A_178 = tpu.vector_load %arg13[%get3A_177] {strides = array<i32>} : memref<4096xi32, #tpu.memory_space<vmem>>, vector<16xi32>,
        %gather3A_179 = tpu.vector_load_idx %arg10[%get3A_178] : memref<65536xf32, #tpu.memory_space<vmem>>[vector<16xi32>], vector<16xf32>,
        %get3A_180 = arith.index_cast %add3A_176 : i32 to index
        %get3A_181 = tpu.vector_load %arg11[%get3A_180] {strides = array<i32>} : memref<4096xf32, #tpu.memory_space<vmem>>, vector<16xf32>,
        %mul3A_182 = arith.mulf %get3A_181, %gather3A_179 : vector<16xf32>
        %swap3A_183 = arith.index_cast %add3A_176 : i32 to index
        %swap3A_184 = tpu.vector_load %arg17[%swap3A_183] {strides = array<i32>} : memref<4096xf32, #tpu.memory_space<vmem>>, vector<16xf32>,
        tpu.vector_store %arg17[%swap3A_183], %mul3A_182 {strides = array<i32>} : memref<4096xf32, #tpu.memory_space<vmem>>, vector<16xf32>,
        %scan3A_185 = arith.constant 3 : i32
        %mul3A_186 = arith.constant 16 : i32
        %mul3A_187 = arith.muli %scan3A_185, %mul3A_186 : i32
        %add3A_188 = arith.constant 0 : i32
        %add3A_189 = arith.addi %add3A_188, %mul3A_187 : i32
        %mul3A_190 = arith.constant 128 : i32
        %mul3A_191 = arith.muli %add3A_139, %mul3A_190 : i32
        %add3A_192 = arith.addi %mul3A_191, %add3A_189 : i32
        %get3A_193 = arith.index_cast %add3A_192 : i32 to index
        %get3A_194 = tpu.vector_load %arg13[%get3A_193] {strides = array<i32>} : memref<4096xi32, #tpu.memory_space<vmem>>, vector<16xi32>,
        %gather3A_195 = tpu.vector_load_idx %arg10[%get3A_194] : memref<65536xf32, #tpu.memory_space<vmem>>[vector<16xi32>], vector<16xf32>,
        %get3A_196 = arith.index_cast %add3A_192 : i32 to index
        %get3A_197 = tpu.vector_load %arg11[%get3A_196] {strides = array<i32>} : memref<4096xf32, #tpu.memory_space<vmem>>, vector<16xf32>,
        %mul3A_198 = arith.mulf %get3A_197, %gather3A_195 : vector<16xf32>
        %swap3A_199 = arith.index_cast %add3A_192 : i32 to index
        %swap3A_200 = tpu.vector_load %arg17[%swap3A_199] {strides = array<i32>} : memref<4096xf32, #tpu.memory_space<vmem>>, vector<16xf32>,
        tpu.vector_store %arg17[%swap3A_199], %mul3A_198 {strides = array<i32>} : memref<4096xf32, #tpu.memory_space<vmem>>, vector<16xf32>,
        %scan3A_201 = arith.constant 4 : i32
        %mul3A_202 = arith.constant 16 : i32
        %mul3A_203 = arith.muli %scan3A_201, %mul3A_202 : i32
        %add3A_204 = arith.constant 0 : i32
        %add3A_205 = arith.addi %add3A_204, %mul3A_203 : i32
        %mul3A_206 = arith.constant 128 : i32
        %mul3A_207 = arith.muli %add3A_139, %mul3A_206 : i32
        %add3A_208 = arith.addi %mul3A_207, %add3A_205 : i32
        %get3A_209 = arith.index_cast %add3A_208 : i32 to index
        %get3A_210 = tpu.vector_load %arg13[%get3A_209] {strides = array<i32>} : memref<4096xi32, #tpu.memory_space<vmem>>, vector<16xi32>,
        %gather3A_211 = tpu.vector_load_idx %arg10[%get3A_210] : memref<65536xf32, #tpu.memory_space<vmem>>[vector<16xi32>], vector<16xf32>,
        %get3A_212 = arith.index_cast %add3A_208 : i32 to index
        %get3A_213 = tpu.vector_load %arg11[%get3A_212] {strides = array<i32>} : memref<4096xf32, #tpu.memory_space<vmem>>, vector<16xf32>,
        %mul3A_214 = arith.mulf %get3A_213, %gather3A_211 : vector<16xf32>
        %swap3A_215 = arith.index_cast %add3A_208 : i32 to index
        %swap3A_216 = tpu.vector_load %arg17[%swap3A_215] {strides = array<i32>} : memref<4096xf32, #tpu.memory_space<vmem>>, vector<16xf32>,
        tpu.vector_store %arg17[%swap3A_215], %mul3A_214 {strides = array<i32>} : memref<4096xf32, #tpu.memory_space<vmem>>, vector<16xf32>,
        %scan3A_217 = arith.constant 5 : i32
        %mul3A_218 = arith.constant 16 : i32
        %mul3A_219 = arith.muli %scan3A_217, %mul3A_218 : i32
        %add3A_220 = arith.constant 0 : i32
        %add3A_221 = arith.addi %add3A_220, %mul3A_219 : i32
        %mul3A_222 = arith.constant 128 : i32
        %mul3A_223 = arith.muli %add3A_139, %mul3A_222 : i32
        %add3A_224 = arith.addi %mul3A_223, %add3A_221 : i32
        %get3A_225 = arith.index_cast %add3A_224 : i32 to index
        %get3A_226 = tpu.vector_load %arg13[%get3A_225] {strides = array<i32>} : memref<4096xi32, #tpu.memory_space<vmem>>, vector<16xi32>,
        %gather3A_227 = tpu.vector_load_idx %arg10[%get3A_226] : memref<65536xf32, #tpu.memory_space<vmem>>[vector<16xi32>], vector<16xf32>,
        %get3A_228 = arith.index_cast %add3A_224 : i32 to index
        %get3A_229 = tpu.vector_load %arg11[%get3A_228] {strides = array<i32>} : memref<4096xf32, #tpu.memory_space<vmem>>, vector<16xf32>,
        %mul3A_230 = arith.mulf %get3A_229, %gather3A_227 : vector<16xf32>
        %swap3A_231 = arith.index_cast %add3A_224 : i32 to index
        %swap3A_232 = tpu.vector_load %arg17[%swap3A_231] {strides = array<i32>} : memref<4096xf32, #tpu.memory_space<vmem>>, vector<16xf32>,
        tpu.vector_store %arg17[%swap3A_231], %mul3A_230 {strides = array<i32>} : memref<4096xf32, #tpu.memory_space<vmem>>, vector<16xf32>,
        %scan3A_233 = arith.constant 6 : i32
        %mul3A_234 = arith.constant 16 : i32
        %mul3A_235 = arith.muli %scan3A_233, %mul3A_234 : i32
        %add3A_236 = arith.constant 0 : i32
        %add3A_237 = arith.addi %add3A_236, %mul3A_235 : i32
        %mul3A_238 = arith.constant 128 : i32
        %mul3A_239 = arith.muli %add3A_139, %mul3A_238 : i32
        %add3A_240 = arith.addi %mul3A_239, %add3A_237 : i32
        %get3A_241 = arith.index_cast %add3A_240 : i32 to index
        %get3A_242 = tpu.vector_load %arg13[%get3A_241] {strides = array<i32>} : memref<4096xi32, #tpu.memory_space<vmem>>, vector<16xi32>,
        %gather3A_243 = tpu.vector_load_idx %arg10[%get3A_242] : memref<65536xf32, #tpu.memory_space<vmem>>[vector<16xi32>], vector<16xf32>,
        %get3A_244 = arith.index_cast %add3A_240 : i32 to index
        %get3A_245 = tpu.vector_load %arg11[%get3A_244] {strides = array<i32>} : memref<4096xf32, #tpu.memory_space<vmem>>, vector<16xf32>,
        %mul3A_246 = arith.mulf %get3A_245, %gather3A_243 : vector<16xf32>
        %swap3A_247 = arith.index_cast %add3A_240 : i32 to index
        %swap3A_248 = tpu.vector_load %arg17[%swap3A_247] {strides = array<i32>} : memref<4096xf32, #tpu.memory_space<vmem>>, vector<16xf32>,
        tpu.vector_store %arg17[%swap3A_247], %mul3A_246 {strides = array<i32>} : memref<4096xf32, #tpu.memory_space<vmem>>, vector<16xf32>,
        %scan3A_249 = arith.constant 7 : i32
        %mul3A_250 = arith.constant 16 : i32
        %mul3A_251 = arith.muli %scan3A_249, %mul3A_250 : i32
        %add3A_252 = arith.constant 0 : i32
        %add3A_253 = arith.addi %add3A_252, %mul3A_251 : i32
        %mul3A_254 = arith.constant 128 : i32
        %mul3A_255 = arith.muli %add3A_139, %mul3A_254 : i32
        %add3A_256 = arith.addi %mul3A_255, %add3A_253 : i32
        %get3A_257 = arith.index_cast %add3A_256 : i32 to index
        %get3A_258 = tpu.vector_load %arg13[%get3A_257] {strides = array<i32>} : memref<4096xi32, #tpu.memory_space<vmem>>, vector<16xi32>,
        %gather3A_259 = tpu.vector_load_idx %arg10[%get3A_258] : memref<65536xf32, #tpu.memory_space<vmem>>[vector<16xi32>], vector<16xf32>,
        %get3A_260 = arith.index_cast %add3A_256 : i32 to index
        %get3A_261 = tpu.vector_load %arg11[%get3A_260] {strides = array<i32>} : memref<4096xf32, #tpu.memory_space<vmem>>, vector<16xf32>,
        %mul3A_262 = arith.mulf %get3A_261, %gather3A_259 : vector<16xf32>
        %swap3A_263 = arith.index_cast %add3A_256 : i32 to index
        %swap3A_264 = tpu.vector_load %arg17[%swap3A_263] {strides = array<i32>} : memref<4096xf32, #tpu.memory_space<vmem>>, vector<16xf32>,
        tpu.vector_store %arg17[%swap3A_263], %mul3A_262 {strides = array<i32>} : memref<4096xf32, #tpu.memory_space<vmem>>, vector<16xf32>,
        %scan3A_265 = arith.constant 8 : i32
      }
      %scan3A_100 = arith.constant 32 : i32
      %dma_start3A_101 = arith.constant 0 : i32
      %dma_start3A_102 = tpu.memref_slice %arg24[%dma_start3A_101] : memref<65536xf32, #tpu.memory_space<vmem_shared>> -> memref<65536xf32, #tpu.memory_space<vmem_shared>>
      tpu.enqueue_indirect_dma source(%arg17 : memref<4096xf32, #tpu.memory_space<vmem>>) target(%dma_start3A_102 : memref<65536xf32, #tpu.memory_space<vmem_shared>>) offsets(%arg15 : memref<4096xi32, #tpu.memory_space<vmem>>) semaphore(%arg27 : memref<!tpu.dma_semaphore, #tpu.memory_space<semaphore_mem>>) {add = true}
      %dma_wait3A_103 = arith.constant 0 : i32
      %dma_wait3A_104 = tpu.memref_slice %arg3[%dma_wait3A_103] : memref<4294967xf32, #tpu.memory_space<hbm>> -> memref<4096xf32, #tpu.memory_space<hbm>>
      %dma_wait3A_105 = arith.constant 0 : i32
      %dma_wait3A_106 = tpu.memref_slice %arg3[%dma_wait3A_105] : memref<4294967xf32, #tpu.memory_space<hbm>> -> memref<4096xf32, #tpu.memory_space<hbm>>
      tpu.wait_dma2 semaphore(%arg26 : memref<!tpu.dma_semaphore, #tpu.memory_space<semaphore_mem>>) src(%dma_wait3A_106 : memref<4096xf32, #tpu.memory_space<hbm>>) dst(%arg12 : memref<4096xf32, #tpu.memory_space<vmem>>)
      %dma_wait3A_107 = arith.constant 0 : i32
      %dma_wait3A_108 = tpu.memref_slice %arg4[%dma_wait3A_107] : memref<4294967xi32, #tpu.memory_space<hbm>> -> memref<4096xi32, #tpu.memory_space<hbm>>
      %dma_wait3A_109 = arith.constant 0 : i32
      %dma_wait3A_110 = tpu.memref_slice %arg4[%dma_wait3A_109] : memref<4294967xi32, #tpu.memory_space<hbm>> -> memref<4096xi32, #tpu.memory_space<hbm>>
      tpu.wait_dma2 semaphore(%arg26 : memref<!tpu.dma_semaphore, #tpu.memory_space<semaphore_mem>>) src(%dma_wait3A_110 : memref<4096xi32, #tpu.memory_space<hbm>>) dst(%arg14 : memref<4096xi32, #tpu.memory_space<vmem>>)
      %dma_wait3A_111 = arith.constant 0 : i32
      %dma_wait3A_112 = tpu.memref_slice %arg5[%dma_wait3A_111] : memref<4294967xi32, #tpu.memory_space<hbm>> -> memref<4096xi32, #tpu.memory_space<hbm>>
      %dma_wait3A_113 = arith.constant 0 : i32
      %dma_wait3A_114 = tpu.memref_slice %arg5[%dma_wait3A_113] : memref<4294967xi32, #tpu.memory_space<hbm>> -> memref<4096xi32, #tpu.memory_space<hbm>>
      tpu.wait_dma2 semaphore(%arg26 : memref<!tpu.dma_semaphore, #tpu.memory_space<semaphore_mem>>) src(%dma_wait3A_114 : memref<4096xi32, #tpu.memory_space<hbm>>) dst(%arg16 : memref<4096xi32, #tpu.memory_space<vmem>>)
      %scan3A_115 = arith.constant 0 : i32
      %scan3A_116 = arith.constant 32 : i32
      %scan3A_117 = arith.addi %scan3A_115, %scan3A_116 : i32
      %scan3A_118 = arith.constant 1 : i32
      scf.for %scan3A_135 = %scan3A_115 to %scan3A_117 step %scan3A_118  : i32 {
        %mul3A_136 = arith.constant 1 : i32
        %mul3A_137 = arith.muli %scan3A_135, %mul3A_136 : i32
        %add3A_138 = arith.constant 0 : i32
        %add3A_139 = arith.addi %add3A_138, %mul3A_137 : i32
        %scan3A_140 = arith.constant 0 : i32
        %mul3A_141 = arith.constant 16 : i32
        %mul3A_142 = arith.muli %scan3A_140, %mul3A_141 : i32
        %add3A_143 = arith.constant 0 : i32
        %add3A_144 = arith.addi %add3A_143, %mul3A_142 : i32
        %mul3A_145 = arith.constant 128 : i32
        %mul3A_146 = arith.muli %add3A_139, %mul3A_145 : i32
        %add3A_147 = arith.addi %mul3A_146, %add3A_144 : i32
        %get3A = arith.index_cast %add3A_147 : i32 to index
        %get3A_148 = tpu.vector_load %arg14[%get3A] {strides = array<i32>} : memref<4096xi32, #tpu.memory_space<vmem>>, vector<16xi32>,
        %gather3A = tpu.vector_load_idx %arg10[%get3A_148] : memref<65536xf32, #tpu.memory_space<vmem>>[vector<16xi32>], vector<16xf32>,
        %get3A_149 = arith.index_cast %add3A_147 : i32 to index
        %get3A_150 = tpu.vector_load %arg12[%get3A_149] {strides = array<i32>} : memref<4096xf32, #tpu.memory_space<vmem>>, vector<16xf32>,
        %mul3A_151 = arith.mulf %get3A_150, %gather3A : vector<16xf32>
        %swap3A = arith.index_cast %add3A_147 : i32 to index
        %swap3A_152 = tpu.vector_load %arg18[%swap3A] {strides = array<i32>} : memref<4096xf32, #tpu.memory_space<vmem>>, vector<16xf32>,
        tpu.vector_store %arg18[%swap3A], %mul3A_151 {strides = array<i32>} : memref<4096xf32, #tpu.memory_space<vmem>>, vector<16xf32>,
        %scan3A_153 = arith.constant 1 : i32
        %mul3A_154 = arith.constant 16 : i32
        %mul3A_155 = arith.muli %scan3A_153, %mul3A_154 : i32
        %add3A_156 = arith.constant 0 : i32
        %add3A_157 = arith.addi %add3A_156, %mul3A_155 : i32
        %mul3A_158 = arith.constant 128 : i32
        %mul3A_159 = arith.muli %add3A_139, %mul3A_158 : i32
        %add3A_160 = arith.addi %mul3A_159, %add3A_157 : i32
        %get3A_161 = arith.index_cast %add3A_160 : i32 to index
        %get3A_162 = tpu.vector_load %arg14[%get3A_161] {strides = array<i32>} : memref<4096xi32, #tpu.memory_space<vmem>>, vector<16xi32>,
        %gather3A_163 = tpu.vector_load_idx %arg10[%get3A_162] : memref<65536xf32, #tpu.memory_space<vmem>>[vector<16xi32>], vector<16xf32>,
        %get3A_164 = arith.index_cast %add3A_160 : i32 to index
        %get3A_165 = tpu.vector_load %arg12[%get3A_164] {strides = array<i32>} : memref<4096xf32, #tpu.memory_space<vmem>>, vector<16xf32>,
        %mul3A_166 = arith.mulf %get3A_165, %gather3A_163 : vector<16xf32>
        %swap3A_167 = arith.index_cast %add3A_160 : i32 to index
        %swap3A_168 = tpu.vector_load %arg18[%swap3A_167] {strides = array<i32>} : memref<4096xf32, #tpu.memory_space<vmem>>, vector<16xf32>,
        tpu.vector_store %arg18[%swap3A_167], %mul3A_166 {strides = array<i32>} : memref<4096xf32, #tpu.memory_space<vmem>>, vector<16xf32>,
        %scan3A_169 = arith.constant 2 : i32
        %mul3A_170 = arith.constant 16 : i32
        %mul3A_171 = arith.muli %scan3A_169, %mul3A_170 : i32
        %add3A_172 = arith.constant 0 : i32
        %add3A_173 = arith.addi %add3A_172, %mul3A_171 : i32
        %mul3A_174 = arith.constant 128 : i32
        %mul3A_175 = arith.muli %add3A_139, %mul3A_174 : i32
        %add3A_176 = arith.addi %mul3A_175, %add3A_173 : i32
        %get3A_177 = arith.index_cast %add3A_176 : i32 to index
        %get3A_178 = tpu.vector_load %arg14[%get3A_177] {strides = array<i32>} : memref<4096xi32, #tpu.memory_space<vmem>>, vector<16xi32>,
        %gather3A_179 = tpu.vector_load_idx %arg10[%get3A_178] : memref<65536xf32, #tpu.memory_space<vmem>>[vector<16xi32>], vector<16xf32>,
        %get3A_180 = arith.index_cast %add3A_176 : i32 to index
        %get3A_181 = tpu.vector_load %arg12[%get3A_180] {strides = array<i32>} : memref<4096xf32, #tpu.memory_space<vmem>>, vector<16xf32>,
        %mul3A_182 = arith.mulf %get3A_181, %gather3A_179 : vector<16xf32>
        %swap3A_183 = arith.index_cast %add3A_176 : i32 to index
        %swap3A_184 = tpu.vector_load %arg18[%swap3A_183] {strides = array<i32>} : memref<4096xf32, #tpu.memory_space<vmem>>, vector<16xf32>,
        tpu.vector_store %arg18[%swap3A_183], %mul3A_182 {strides = array<i32>} : memref<4096xf32, #tpu.memory_space<vmem>>, vector<16xf32>,
        %scan3A_185 = arith.constant 3 : i32
        %mul3A_186 = arith.constant 16 : i32
        %mul3A_187 = arith.muli %scan3A_185, %mul3A_186 : i32
        %add3A_188 = arith.constant 0 : i32
        %add3A_189 = arith.addi %add3A_188, %mul3A_187 : i32
        %mul3A_190 = arith.constant 128 : i32
        %mul3A_191 = arith.muli %add3A_139, %mul3A_190 : i32
        %add3A_192 = arith.addi %mul3A_191, %add3A_189 : i32
        %get3A_193 = arith.index_cast %add3A_192 : i32 to index
        %get3A_194 = tpu.vector_load %arg14[%get3A_193] {strides = array<i32>} : memref<4096xi32, #tpu.memory_space<vmem>>, vector<16xi32>,
        %gather3A_195 = tpu.vector_load_idx %arg10[%get3A_194] : memref<65536xf32, #tpu.memory_space<vmem>>[vector<16xi32>], vector<16xf32>,
        %get3A_196 = arith.index_cast %add3A_192 : i32 to index
        %get3A_197 = tpu.vector_load %arg12[%get3A_196] {strides = array<i32>} : memref<4096xf32, #tpu.memory_space<vmem>>, vector<16xf32>,
        %mul3A_198 = arith.mulf %get3A_197, %gather3A_195 : vector<16xf32>
        %swap3A_199 = arith.index_cast %add3A_192 : i32 to index
        %swap3A_200 = tpu.vector_load %arg18[%swap3A_199] {strides = array<i32>} : memref<4096xf32, #tpu.memory_space<vmem>>, vector<16xf32>,
        tpu.vector_store %arg18[%swap3A_199], %mul3A_198 {strides = array<i32>} : memref<4096xf32, #tpu.memory_space<vmem>>, vector<16xf32>,
        %scan3A_201 = arith.constant 4 : i32
        %mul3A_202 = arith.constant 16 : i32
        %mul3A_203 = arith.muli %scan3A_201, %mul3A_202 : i32
        %add3A_204 = arith.constant 0 : i32
        %add3A_205 = arith.addi %add3A_204, %mul3A_203 : i32
        %mul3A_206 = arith.constant 128 : i32
        %mul3A_207 = arith.muli %add3A_139, %mul3A_206 : i32
        %add3A_208 = arith.addi %mul3A_207, %add3A_205 : i32
        %get3A_209 = arith.index_cast %add3A_208 : i32 to index
        %get3A_210 = tpu.vector_load %arg14[%get3A_209] {strides = array<i32>} : memref<4096xi32, #tpu.memory_space<vmem>>, vector<16xi32>,
        %gather3A_211 = tpu.vector_load_idx %arg10[%get3A_210] : memref<65536xf32, #tpu.memory_space<vmem>>[vector<16xi32>], vector<16xf32>,
        %get3A_212 = arith.index_cast %add3A_208 : i32 to index
        %get3A_213 = tpu.vector_load %arg12[%get3A_212] {strides = array<i32>} : memref<4096xf32, #tpu.memory_space<vmem>>, vector<16xf32>,
        %mul3A_214 = arith.mulf %get3A_213, %gather3A_211 : vector<16xf32>
        %swap3A_215 = arith.index_cast %add3A_208 : i32 to index
        %swap3A_216 = tpu.vector_load %arg18[%swap3A_215] {strides = array<i32>} : memref<4096xf32, #tpu.memory_space<vmem>>, vector<16xf32>,
        tpu.vector_store %arg18[%swap3A_215], %mul3A_214 {strides = array<i32>} : memref<4096xf32, #tpu.memory_space<vmem>>, vector<16xf32>,
        %scan3A_217 = arith.constant 5 : i32
        %mul3A_218 = arith.constant 16 : i32
        %mul3A_219 = arith.muli %scan3A_217, %mul3A_218 : i32
        %add3A_220 = arith.constant 0 : i32
        %add3A_221 = arith.addi %add3A_220, %mul3A_219 : i32
        %mul3A_222 = arith.constant 128 : i32
        %mul3A_223 = arith.muli %add3A_139, %mul3A_222 : i32
        %add3A_224 = arith.addi %mul3A_223, %add3A_221 : i32
        %get3A_225 = arith.index_cast %add3A_224 : i32 to index
        %get3A_226 = tpu.vector_load %arg14[%get3A_225] {strides = array<i32>} : memref<4096xi32, #tpu.memory_space<vmem>>, vector<16xi32>,
        %gather3A_227 = tpu.vector_load_idx %arg10[%get3A_226] : memref<65536xf32, #tpu.memory_space<vmem>>[vector<16xi32>], vector<16xf32>,
        %get3A_228 = arith.index_cast %add3A_224 : i32 to index
        %get3A_229 = tpu.vector_load %arg12[%get3A_228] {strides = array<i32>} : memref<4096xf32, #tpu.memory_space<vmem>>, vector<16xf32>,
        %mul3A_230 = arith.mulf %get3A_229, %gather3A_227 : vector<16xf32>
        %swap3A_231 = arith.index_cast %add3A_224 : i32 to index
        %swap3A_232 = tpu.vector_load %arg18[%swap3A_231] {strides = array<i32>} : memref<4096xf32, #tpu.memory_space<vmem>>, vector<16xf32>,
        tpu.vector_store %arg18[%swap3A_231], %mul3A_230 {strides = array<i32>} : memref<4096xf32, #tpu.memory_space<vmem>>, vector<16xf32>,
        %scan3A_233 = arith.constant 6 : i32
        %mul3A_234 = arith.constant 16 : i32
        %mul3A_235 = arith.muli %scan3A_233, %mul3A_234 : i32
        %add3A_236 = arith.constant 0 : i32
        %add3A_237 = arith.addi %add3A_236, %mul3A_235 : i32
        %mul3A_238 = arith.constant 128 : i32
        %mul3A_239 = arith.muli %add3A_139, %mul3A_238 : i32
        %add3A_240 = arith.addi %mul3A_239, %add3A_237 : i32
        %get3A_241 = arith.index_cast %add3A_240 : i32 to index
        %get3A_242 = tpu.vector_load %arg14[%get3A_241] {strides = array<i32>} : memref<4096xi32, #tpu.memory_space<vmem>>, vector<16xi32>,
        %gather3A_243 = tpu.vector_load_idx %arg10[%get3A_242] : memref<65536xf32, #tpu.memory_space<vmem>>[vector<16xi32>], vector<16xf32>,
        %get3A_244 = arith.index_cast %add3A_240 : i32 to index
        %get3A_245 = tpu.vector_load %arg12[%get3A_244] {strides = array<i32>} : memref<4096xf32, #tpu.memory_space<vmem>>, vector<16xf32>,
        %mul3A_246 = arith.mulf %get3A_245, %gather3A_243 : vector<16xf32>
        %swap3A_247 = arith.index_cast %add3A_240 : i32 to index
        %swap3A_248 = tpu.vector_load %arg18[%swap3A_247] {strides = array<i32>} : memref<4096xf32, #tpu.memory_space<vmem>>, vector<16xf32>,
        tpu.vector_store %arg18[%swap3A_247], %mul3A_246 {strides = array<i32>} : memref<4096xf32, #tpu.memory_space<vmem>>, vector<16xf32>,
        %scan3A_249 = arith.constant 7 : i32
        %mul3A_250 = arith.constant 16 : i32
        %mul3A_251 = arith.muli %scan3A_249, %mul3A_250 : i32
        %add3A_252 = arith.constant 0 : i32
        %add3A_253 = arith.addi %add3A_252, %mul3A_251 : i32
        %mul3A_254 = arith.constant 128 : i32
        %mul3A_255 = arith.muli %add3A_139, %mul3A_254 : i32
        %add3A_256 = arith.addi %mul3A_255, %add3A_253 : i32
        %get3A_257 = arith.index_cast %add3A_256 : i32 to index
        %get3A_258 = tpu.vector_load %arg14[%get3A_257] {strides = array<i32>} : memref<4096xi32, #tpu.memory_space<vmem>>, vector<16xi32>,
        %gather3A_259 = tpu.vector_load_idx %arg10[%get3A_258] : memref<65536xf32, #tpu.memory_space<vmem>>[vector<16xi32>], vector<16xf32>,
        %get3A_260 = arith.index_cast %add3A_256 : i32 to index
        %get3A_261 = tpu.vector_load %arg12[%get3A_260] {strides = array<i32>} : memref<4096xf32, #tpu.memory_space<vmem>>, vector<16xf32>,
        %mul3A_262 = arith.mulf %get3A_261, %gather3A_259 : vector<16xf32>
        %swap3A_263 = arith.index_cast %add3A_256 : i32 to index
        %swap3A_264 = tpu.vector_load %arg18[%swap3A_263] {strides = array<i32>} : memref<4096xf32, #tpu.memory_space<vmem>>, vector<16xf32>,
        tpu.vector_store %arg18[%swap3A_263], %mul3A_262 {strides = array<i32>} : memref<4096xf32, #tpu.memory_space<vmem>>, vector<16xf32>,
        %scan3A_265 = arith.constant 8 : i32
      }
      %scan3A_119 = arith.constant 32 : i32
      %dma_start3A_120 = arith.constant 0 : i32
      %dma_start3A_121 = tpu.memref_slice %arg24[%dma_start3A_120] : memref<65536xf32, #tpu.memory_space<vmem_shared>> -> memref<65536xf32, #tpu.memory_space<vmem_shared>>
      tpu.enqueue_indirect_dma source(%arg18 : memref<4096xf32, #tpu.memory_space<vmem>>) target(%dma_start3A_121 : memref<65536xf32, #tpu.memory_space<vmem_shared>>) offsets(%arg16 : memref<4096xi32, #tpu.memory_space<vmem>>) semaphore(%arg28 : memref<!tpu.dma_semaphore, #tpu.memory_space<semaphore_mem>>) {add = true}
      %dma_wait3A_122 = arith.constant 0 : i32
      %dma_wait3A_123 = tpu.memref_slice %arg24[%dma_wait3A_122] : memref<65536xf32, #tpu.memory_space<vmem_shared>> -> memref<65536xf32, #tpu.memory_space<vmem_shared>>
      tpu.wait_indirect_dma semaphore(%arg27 : memref<!tpu.dma_semaphore, #tpu.memory_space<semaphore_mem>>) src(%arg17 : memref<4096xf32, #tpu.memory_space<vmem>>) dst(%dma_wait3A_123 : memref<65536xf32, #tpu.memory_space<vmem_shared>>)
      %lt3A = arith.constant 15 : i32
      %lt3A_124 = arith.cmpi slt, %add3A_81, %lt3A : i32
      %convert_element_type3A_125 = arith.extui %lt3A_124 : i1 to i32
      %cond3A_126 = arith.constant 0 : i32
      %cond3A_127 = arith.cmpi ne, %convert_element_type3A_125, %cond3A_126 : i32
      scf.if %cond3A_127 {
        %mul3A_135 = arith.constant 131072 : i32
        %mul3A_136 = arith.muli %add3A, %mul3A_135 : i32
        %add3A_137 = arith.constant 2 : i32
        %add3A_138 = arith.addi %mul3A_83, %add3A_137 : i32
        %mul3A_139 = arith.constant 4096 : i32
        %mul3A_140 = arith.muli %add3A_138, %mul3A_139 : i32
        %add3A_141 = arith.addi %mul3A_136, %mul3A_140 : i32
        %multiple_of3A_142 = tpu.assume_multiple %add3A_141, 8 : i32
        %dma_start3A_143 = tpu.memref_slice %arg3[%multiple_of3A_142] : memref<4294967xf32, #tpu.memory_space<hbm>> -> memref<4096xf32, #tpu.memory_space<hbm>>
        %dma_start3A_144 = tpu.memref_slice %arg3[%multiple_of3A_142] : memref<4294967xf32, #tpu.memory_space<hbm>> -> memref<4096xf32, #tpu.memory_space<hbm>>
        tpu.enqueue_dma source(%dma_start3A_144 : memref<4096xf32, #tpu.memory_space<hbm>>) target(%arg11 : memref<4096xf32, #tpu.memory_space<vmem>>) target_semaphore(%arg25 : memref<!tpu.dma_semaphore, #tpu.memory_space<semaphore_mem>>)
        %dma_start3A_145 = tpu.memref_slice %arg4[%multiple_of3A_142] : memref<4294967xi32, #tpu.memory_space<hbm>> -> memref<4096xi32, #tpu.memory_space<hbm>>
        %dma_start3A_146 = tpu.memref_slice %arg4[%multiple_of3A_142] : memref<4294967xi32, #tpu.memory_space<hbm>> -> memref<4096xi32, #tpu.memory_space<hbm>>
        tpu.enqueue_dma source(%dma_start3A_146 : memref<4096xi32, #tpu.memory_space<hbm>>) target(%arg13 : memref<4096xi32, #tpu.memory_space<vmem>>) target_semaphore(%arg25 : memref<!tpu.dma_semaphore, #tpu.memory_space<semaphore_mem>>)
        %dma_start3A_147 = tpu.memref_slice %arg5[%multiple_of3A_142] : memref<4294967xi32, #tpu.memory_space<hbm>> -> memref<4096xi32, #tpu.memory_space<hbm>>
        %dma_start3A_148 = tpu.memref_slice %arg5[%multiple_of3A_142] : memref<4294967xi32, #tpu.memory_space<hbm>> -> memref<4096xi32, #tpu.memory_space<hbm>>
        tpu.enqueue_dma source(%dma_start3A_148 : memref<4096xi32, #tpu.memory_space<hbm>>) target(%arg15 : memref<4096xi32, #tpu.memory_space<vmem>>) target_semaphore(%arg25 : memref<!tpu.dma_semaphore, #tpu.memory_space<semaphore_mem>>)
      } else {
      }
      %dma_wait3A_128 = arith.constant 0 : i32
      %dma_wait3A_129 = tpu.memref_slice %arg24[%dma_wait3A_128] : memref<65536xf32, #tpu.memory_space<vmem_shared>> -> memref<65536xf32, #tpu.memory_space<vmem_shared>>
      tpu.wait_indirect_dma semaphore(%arg28 : memref<!tpu.dma_semaphore, #tpu.memory_space<semaphore_mem>>) src(%arg18 : memref<4096xf32, #tpu.memory_space<vmem>>) dst(%dma_wait3A_129 : memref<65536xf32, #tpu.memory_space<vmem_shared>>)
      %lt3A_130 = arith.constant 15 : i32
      %lt3A_131 = arith.cmpi slt, %add3A_81, %lt3A_130 : i32
      %convert_element_type3A_132 = arith.extui %lt3A_131 : i1 to i32
      %cond3A_133 = arith.constant 0 : i32
      %cond3A_134 = arith.cmpi ne, %convert_element_type3A_132, %cond3A_133 : i32
      scf.if %cond3A_134 {
        %mul3A_135 = arith.constant 131072 : i32
        %mul3A_136 = arith.muli %add3A, %mul3A_135 : i32
        %add3A_137 = arith.constant 3 : i32
        %add3A_138 = arith.addi %mul3A_83, %add3A_137 : i32
        %mul3A_139 = arith.constant 4096 : i32
        %mul3A_140 = arith.muli %add3A_138, %mul3A_139 : i32
        %add3A_141 = arith.addi %mul3A_136, %mul3A_140 : i32
        %multiple_of3A_142 = tpu.assume_multiple %add3A_141, 8 : i32
        %dma_start3A_143 = tpu.memref_slice %arg3[%multiple_of3A_142] : memref<4294967xf32, #tpu.memory_space<hbm>> -> memref<4096xf32, #tpu.memory_space<hbm>>
        %dma_start3A_144 = tpu.memref_slice %arg3[%multiple_of3A_142] : memref<4294967xf32, #tpu.memory_space<hbm>> -> memref<4096xf32, #tpu.memory_space<hbm>>
        tpu.enqueue_dma source(%dma_start3A_144 : memref<4096xf32, #tpu.memory_space<hbm>>) target(%arg12 : memref<4096xf32, #tpu.memory_space<vmem>>) target_semaphore(%arg26 : memref<!tpu.dma_semaphore, #tpu.memory_space<semaphore_mem>>)
        %dma_start3A_145 = tpu.memref_slice %arg4[%multiple_of3A_142] : memref<4294967xi32, #tpu.memory_space<hbm>> -> memref<4096xi32, #tpu.memory_space<hbm>>
        %dma_start3A_146 = tpu.memref_slice %arg4[%multiple_of3A_142] : memref<4294967xi32, #tpu.memory_space<hbm>> -> memref<4096xi32, #tpu.memory_space<hbm>>
        tpu.enqueue_dma source(%dma_start3A_146 : memref<4096xi32, #tpu.memory_space<hbm>>) target(%arg14 : memref<4096xi32, #tpu.memory_space<vmem>>) target_semaphore(%arg26 : memref<!tpu.dma_semaphore, #tpu.memory_space<semaphore_mem>>)
        %dma_start3A_147 = tpu.memref_slice %arg5[%multiple_of3A_142] : memref<4294967xi32, #tpu.memory_space<hbm>> -> memref<4096xi32, #tpu.memory_space<hbm>>
        %dma_start3A_148 = tpu.memref_slice %arg5[%multiple_of3A_142] : memref<4294967xi32, #tpu.memory_space<hbm>> -> memref<4096xi32, #tpu.memory_space<hbm>>
        tpu.enqueue_dma source(%dma_start3A_148 : memref<4096xi32, #tpu.memory_space<hbm>>) target(%arg16 : memref<4096xi32, #tpu.memory_space<vmem>>) target_semaphore(%arg26 : memref<!tpu.dma_semaphore, #tpu.memory_space<semaphore_mem>>)
      } else {
      }
    }
    %scan3A_30 = arith.constant 16 : i32
    %mul3A_31 = arith.constant 3146 : i32
    %mul3A_32 = arith.muli %add3A, %mul3A_31 : i32
    %add3A_33 = arith.constant 4194304 : i32
    %add3A_34 = arith.addi %add3A_33, %mul3A_32 : i32
    %add3A_35 = arith.constant 3146 : i32
    %add3A_36 = arith.addi %add3A_34, %add3A_35 : i32
    %min3A = arith.constant 4294960 : i32
    %min3A_37 = arith.minsi %add3A_36, %min3A : i32
    %rem3A = arith.constant 8 : i32
    %rem3A_38 = arith.remsi %add3A_34, %rem3A : i32
    %sub3A = arith.subi %add3A_34, %rem3A_38 : i32
    %min3A_39 = arith.constant 4290864 : i32
    %min3A_40 = arith.minsi %sub3A, %min3A_39 : i32
    %multiple_of3A_41 = tpu.assume_multiple %min3A_40, 8 : i32
    %dma_start3A_42 = tpu.memref_slice %arg3[%multiple_of3A_41] : memref<4294967xf32, #tpu.memory_space<hbm>> -> memref<4096xf32, #tpu.memory_space<hbm>>
    %dma_start3A_43 = tpu.memref_slice %arg3[%multiple_of3A_41] : memref<4294967xf32, #tpu.memory_space<hbm>> -> memref<4096xf32, #tpu.memory_space<hbm>>
    tpu.enqueue_dma source(%dma_start3A_43 : memref<4096xf32, #tpu.memory_space<hbm>>) target(%arg11 : memref<4096xf32, #tpu.memory_space<vmem>>) target_semaphore(%arg25 : memref<!tpu.dma_semaphore, #tpu.memory_space<semaphore_mem>>)
    %dma_start3A_44 = tpu.memref_slice %arg4[%multiple_of3A_41] : memref<4294967xi32, #tpu.memory_space<hbm>> -> memref<4096xi32, #tpu.memory_space<hbm>>
    %dma_start3A_45 = tpu.memref_slice %arg4[%multiple_of3A_41] : memref<4294967xi32, #tpu.memory_space<hbm>> -> memref<4096xi32, #tpu.memory_space<hbm>>
    tpu.enqueue_dma source(%dma_start3A_45 : memref<4096xi32, #tpu.memory_space<hbm>>) target(%arg13 : memref<4096xi32, #tpu.memory_space<vmem>>) target_semaphore(%arg25 : memref<!tpu.dma_semaphore, #tpu.memory_space<semaphore_mem>>)
    %dma_start3A_46 = tpu.memref_slice %arg5[%multiple_of3A_41] : memref<4294967xi32, #tpu.memory_space<hbm>> -> memref<4096xi32, #tpu.memory_space<hbm>>
    %dma_start3A_47 = tpu.memref_slice %arg5[%multiple_of3A_41] : memref<4294967xi32, #tpu.memory_space<hbm>> -> memref<4096xi32, #tpu.memory_space<hbm>>
    tpu.enqueue_dma source(%dma_start3A_47 : memref<4096xi32, #tpu.memory_space<hbm>>) target(%arg15 : memref<4096xi32, #tpu.memory_space<vmem>>) target_semaphore(%arg25 : memref<!tpu.dma_semaphore, #tpu.memory_space<semaphore_mem>>)
    %dma_wait3A = arith.constant 0 : i32
    %dma_wait3A_48 = tpu.memref_slice %arg3[%dma_wait3A] : memref<4294967xf32, #tpu.memory_space<hbm>> -> memref<4096xf32, #tpu.memory_space<hbm>>
    %dma_wait3A_49 = arith.constant 0 : i32
    %dma_wait3A_50 = tpu.memref_slice %arg3[%dma_wait3A_49] : memref<4294967xf32, #tpu.memory_space<hbm>> -> memref<4096xf32, #tpu.memory_space<hbm>>
    tpu.wait_dma2 semaphore(%arg25 : memref<!tpu.dma_semaphore, #tpu.memory_space<semaphore_mem>>) src(%dma_wait3A_50 : memref<4096xf32, #tpu.memory_space<hbm>>) dst(%arg11 : memref<4096xf32, #tpu.memory_space<vmem>>)
    %dma_wait3A_51 = arith.constant 0 : i32
    %dma_wait3A_52 = tpu.memref_slice %arg4[%dma_wait3A_51] : memref<4294967xi32, #tpu.memory_space<hbm>> -> memref<4096xi32, #tpu.memory_space<hbm>>
    %dma_wait3A_53 = arith.constant 0 : i32
    %dma_wait3A_54 = tpu.memref_slice %arg4[%dma_wait3A_53] : memref<4294967xi32, #tpu.memory_space<hbm>> -> memref<4096xi32, #tpu.memory_space<hbm>>
    tpu.wait_dma2 semaphore(%arg25 : memref<!tpu.dma_semaphore, #tpu.memory_space<semaphore_mem>>) src(%dma_wait3A_54 : memref<4096xi32, #tpu.memory_space<hbm>>) dst(%arg13 : memref<4096xi32, #tpu.memory_space<vmem>>)
    %dma_wait3A_55 = arith.constant 0 : i32
    %dma_wait3A_56 = tpu.memref_slice %arg5[%dma_wait3A_55] : memref<4294967xi32, #tpu.memory_space<hbm>> -> memref<4096xi32, #tpu.memory_space<hbm>>
    %dma_wait3A_57 = arith.constant 0 : i32
    %dma_wait3A_58 = tpu.memref_slice %arg5[%dma_wait3A_57] : memref<4294967xi32, #tpu.memory_space<hbm>> -> memref<4096xi32, #tpu.memory_space<hbm>>
    tpu.wait_dma2 semaphore(%arg25 : memref<!tpu.dma_semaphore, #tpu.memory_space<semaphore_mem>>) src(%dma_wait3A_58 : memref<4096xi32, #tpu.memory_space<hbm>>) dst(%arg15 : memref<4096xi32, #tpu.memory_space<vmem>>)
    %iota3A = tpu.iota {dimensions = array<i32: 0>} : vector<16xi32>
    %broadcast_in_dim3A_59 = arith.constant 0.000000e+00 : f32
    %broadcast_in_dim3A_60 = vector.broadcast %broadcast_in_dim3A_59 : f32 to vector<16xf32>
    %scan3A_61 = arith.constant 0 : i32
    %scan3A_62 = arith.constant 32 : i32
    %scan3A_63 = arith.addi %scan3A_61, %scan3A_62 : i32
    %scan3A_64 = arith.constant 1 : i32
    scf.for %scan3A_77 = %scan3A_61 to %scan3A_63 step %scan3A_64  : i32 {
      %mul3A_78 = arith.constant 1 : i32
      %mul3A_79 = arith.muli %scan3A_77, %mul3A_78 : i32
      %add3A_80 = arith.constant 0 : i32
      %add3A_81 = arith.addi %add3A_80, %mul3A_79 : i32
      %scan3A_82 = arith.constant 0 : i32
      %scan3A_83 = arith.constant 8 : i32
      %scan3A_84 = arith.addi %scan3A_82, %scan3A_83 : i32
      %scan3A_85 = arith.constant 4 : i32
      scf.for %scan3A_87 = %scan3A_82 to %scan3A_84 step %scan3A_85  : i32 {
        %mul3A_88 = arith.constant 16 : i32
        %mul3A_89 = arith.muli %scan3A_87, %mul3A_88 : i32
        %add3A_90 = arith.constant 0 : i32
        %add3A_91 = arith.addi %add3A_90, %mul3A_89 : i32
        %mul3A_92 = arith.constant 128 : i32
        %mul3A_93 = arith.muli %add3A_81, %mul3A_92 : i32
        %add3A_94 = arith.addi %mul3A_93, %add3A_91 : i32
        %add3A_95 = arith.addi %min3A_40, %add3A_94 : i32
        %add3A_96 = vector.broadcast %add3A_95 : i32 to vector<16xi32>
        %add3A_97 = arith.addi %add3A_96, %iota3A : vector<16xi32>
        %ge3A = vector.broadcast %add3A_34 : i32 to vector<16xi32>
        %ge3A_98 = arith.cmpi sge, %add3A_97, %ge3A : vector<16xi32>
        %lt3A = vector.broadcast %min3A_37 : i32 to vector<16xi32>
        %lt3A_99 = arith.cmpi slt, %add3A_97, %lt3A : vector<16xi32>
        %and3A = arith.andi %ge3A_98, %lt3A_99 : vector<16xi1>
        %get3A = arith.index_cast %add3A_94 : i32 to index
        %get3A_100 = tpu.vector_load %arg13[%get3A] {strides = array<i32>} : memref<4096xi32, #tpu.memory_space<vmem>>, vector<16xi32>,
        %gather3A = tpu.vector_load_idx %arg10[%get3A_100] : memref<65536xf32, #tpu.memory_space<vmem>>[vector<16xi32>], vector<16xf32>,
        %get3A_101 = arith.index_cast %add3A_94 : i32 to index
        %get3A_102 = tpu.vector_load %arg11[%get3A_101] {strides = array<i32>} : memref<4096xf32, #tpu.memory_space<vmem>>, vector<16xf32>,
        %mul3A_103 = arith.mulf %get3A_102, %gather3A : vector<16xf32>
        %select_n3A = arith.select %and3A, %mul3A_103, %broadcast_in_dim3A_60 : vector<16xi1>, vector<16xf32>
        %swap3A = arith.index_cast %add3A_94 : i32 to index
        %swap3A_104 = tpu.vector_load %arg17[%swap3A] {strides = array<i32>} : memref<4096xf32, #tpu.memory_space<vmem>>, vector<16xf32>,
        tpu.vector_store %arg17[%swap3A], %select_n3A {strides = array<i32>} : memref<4096xf32, #tpu.memory_space<vmem>>, vector<16xf32>,
        %scan3A_105 = arith.constant 1 : i32
        %scan3A_106 = arith.addi %scan3A_87, %scan3A_105 : i32
        %mul3A_107 = arith.constant 16 : i32
        %mul3A_108 = arith.muli %scan3A_106, %mul3A_107 : i32
        %add3A_109 = arith.constant 0 : i32
        %add3A_110 = arith.addi %add3A_109, %mul3A_108 : i32
        %mul3A_111 = arith.constant 128 : i32
        %mul3A_112 = arith.muli %add3A_81, %mul3A_111 : i32
        %add3A_113 = arith.addi %mul3A_112, %add3A_110 : i32
        %add3A_114 = arith.addi %min3A_40, %add3A_113 : i32
        %add3A_115 = vector.broadcast %add3A_114 : i32 to vector<16xi32>
        %add3A_116 = arith.addi %add3A_115, %iota3A : vector<16xi32>
        %ge3A_117 = vector.broadcast %add3A_34 : i32 to vector<16xi32>
        %ge3A_118 = arith.cmpi sge, %add3A_116, %ge3A_117 : vector<16xi32>
        %lt3A_119 = vector.broadcast %min3A_37 : i32 to vector<16xi32>
        %lt3A_120 = arith.cmpi slt, %add3A_116, %lt3A_119 : vector<16xi32>
        %and3A_121 = arith.andi %ge3A_118, %lt3A_120 : vector<16xi1>
        %get3A_122 = arith.index_cast %add3A_113 : i32 to index
        %get3A_123 = tpu.vector_load %arg13[%get3A_122] {strides = array<i32>} : memref<4096xi32, #tpu.memory_space<vmem>>, vector<16xi32>,
        %gather3A_124 = tpu.vector_load_idx %arg10[%get3A_123] : memref<65536xf32, #tpu.memory_space<vmem>>[vector<16xi32>], vector<16xf32>,
        %get3A_125 = arith.index_cast %add3A_113 : i32 to index
        %get3A_126 = tpu.vector_load %arg11[%get3A_125] {strides = array<i32>} : memref<4096xf32, #tpu.memory_space<vmem>>, vector<16xf32>,
        %mul3A_127 = arith.mulf %get3A_126, %gather3A_124 : vector<16xf32>
        %select_n3A_128 = arith.select %and3A_121, %mul3A_127, %broadcast_in_dim3A_60 : vector<16xi1>, vector<16xf32>
        %swap3A_129 = arith.index_cast %add3A_113 : i32 to index
        %swap3A_130 = tpu.vector_load %arg17[%swap3A_129] {strides = array<i32>} : memref<4096xf32, #tpu.memory_space<vmem>>, vector<16xf32>,
        tpu.vector_store %arg17[%swap3A_129], %select_n3A_128 {strides = array<i32>} : memref<4096xf32, #tpu.memory_space<vmem>>, vector<16xf32>,
        %scan3A_131 = arith.constant 2 : i32
        %scan3A_132 = arith.addi %scan3A_87, %scan3A_131 : i32
        %mul3A_133 = arith.constant 16 : i32
        %mul3A_134 = arith.muli %scan3A_132, %mul3A_133 : i32
        %add3A_135 = arith.constant 0 : i32
        %add3A_136 = arith.addi %add3A_135, %mul3A_134 : i32
        %mul3A_137 = arith.constant 128 : i32
        %mul3A_138 = arith.muli %add3A_81, %mul3A_137 : i32
        %add3A_139 = arith.addi %mul3A_138, %add3A_136 : i32
        %add3A_140 = arith.addi %min3A_40, %add3A_139 : i32
        %add3A_141 = vector.broadcast %add3A_140 : i32 to vector<16xi32>
        %add3A_142 = arith.addi %add3A_141, %iota3A : vector<16xi32>
        %ge3A_143 = vector.broadcast %add3A_34 : i32 to vector<16xi32>
        %ge3A_144 = arith.cmpi sge, %add3A_142, %ge3A_143 : vector<16xi32>
        %lt3A_145 = vector.broadcast %min3A_37 : i32 to vector<16xi32>
        %lt3A_146 = arith.cmpi slt, %add3A_142, %lt3A_145 : vector<16xi32>
        %and3A_147 = arith.andi %ge3A_144, %lt3A_146 : vector<16xi1>
        %get3A_148 = arith.index_cast %add3A_139 : i32 to index
        %get3A_149 = tpu.vector_load %arg13[%get3A_148] {strides = array<i32>} : memref<4096xi32, #tpu.memory_space<vmem>>, vector<16xi32>,
        %gather3A_150 = tpu.vector_load_idx %arg10[%get3A_149] : memref<65536xf32, #tpu.memory_space<vmem>>[vector<16xi32>], vector<16xf32>,
        %get3A_151 = arith.index_cast %add3A_139 : i32 to index
        %get3A_152 = tpu.vector_load %arg11[%get3A_151] {strides = array<i32>} : memref<4096xf32, #tpu.memory_space<vmem>>, vector<16xf32>,
        %mul3A_153 = arith.mulf %get3A_152, %gather3A_150 : vector<16xf32>
        %select_n3A_154 = arith.select %and3A_147, %mul3A_153, %broadcast_in_dim3A_60 : vector<16xi1>, vector<16xf32>
        %swap3A_155 = arith.index_cast %add3A_139 : i32 to index
        %swap3A_156 = tpu.vector_load %arg17[%swap3A_155] {strides = array<i32>} : memref<4096xf32, #tpu.memory_space<vmem>>, vector<16xf32>,
        tpu.vector_store %arg17[%swap3A_155], %select_n3A_154 {strides = array<i32>} : memref<4096xf32, #tpu.memory_space<vmem>>, vector<16xf32>,
        %scan3A_157 = arith.constant 3 : i32
        %scan3A_158 = arith.addi %scan3A_87, %scan3A_157 : i32
        %mul3A_159 = arith.constant 16 : i32
        %mul3A_160 = arith.muli %scan3A_158, %mul3A_159 : i32
        %add3A_161 = arith.constant 0 : i32
        %add3A_162 = arith.addi %add3A_161, %mul3A_160 : i32
        %mul3A_163 = arith.constant 128 : i32
        %mul3A_164 = arith.muli %add3A_81, %mul3A_163 : i32
        %add3A_165 = arith.addi %mul3A_164, %add3A_162 : i32
        %add3A_166 = arith.addi %min3A_40, %add3A_165 : i32
        %add3A_167 = vector.broadcast %add3A_166 : i32 to vector<16xi32>
        %add3A_168 = arith.addi %add3A_167, %iota3A : vector<16xi32>
        %ge3A_169 = vector.broadcast %add3A_34 : i32 to vector<16xi32>
        %ge3A_170 = arith.cmpi sge, %add3A_168, %ge3A_169 : vector<16xi32>
        %lt3A_171 = vector.broadcast %min3A_37 : i32 to vector<16xi32>
        %lt3A_172 = arith.cmpi slt, %add3A_168, %lt3A_171 : vector<16xi32>
        %and3A_173 = arith.andi %ge3A_170, %lt3A_172 : vector<16xi1>
        %get3A_174 = arith.index_cast %add3A_165 : i32 to index
        %get3A_175 = tpu.vector_load %arg13[%get3A_174] {strides = array<i32>} : memref<4096xi32, #tpu.memory_space<vmem>>, vector<16xi32>,
        %gather3A_176 = tpu.vector_load_idx %arg10[%get3A_175] : memref<65536xf32, #tpu.memory_space<vmem>>[vector<16xi32>], vector<16xf32>,
        %get3A_177 = arith.index_cast %add3A_165 : i32 to index
        %get3A_178 = tpu.vector_load %arg11[%get3A_177] {strides = array<i32>} : memref<4096xf32, #tpu.memory_space<vmem>>, vector<16xf32>,
        %mul3A_179 = arith.mulf %get3A_178, %gather3A_176 : vector<16xf32>
        %select_n3A_180 = arith.select %and3A_173, %mul3A_179, %broadcast_in_dim3A_60 : vector<16xi1>, vector<16xf32>
        %swap3A_181 = arith.index_cast %add3A_165 : i32 to index
        %swap3A_182 = tpu.vector_load %arg17[%swap3A_181] {strides = array<i32>} : memref<4096xf32, #tpu.memory_space<vmem>>, vector<16xf32>,
        tpu.vector_store %arg17[%swap3A_181], %select_n3A_180 {strides = array<i32>} : memref<4096xf32, #tpu.memory_space<vmem>>, vector<16xf32>,
      }
      %scan3A_86 = arith.constant 8 : i32
    }
    %scan3A_65 = arith.constant 32 : i32
    %dma_start3A_66 = arith.constant 0 : i32
    %dma_start3A_67 = tpu.memref_slice %arg24[%dma_start3A_66] : memref<65536xf32, #tpu.memory_space<vmem_shared>> -> memref<65536xf32, #tpu.memory_space<vmem_shared>>
    tpu.enqueue_indirect_dma source(%arg17 : memref<4096xf32, #tpu.memory_space<vmem>>) target(%dma_start3A_67 : memref<65536xf32, #tpu.memory_space<vmem_shared>>) offsets(%arg15 : memref<4096xi32, #tpu.memory_space<vmem>>) semaphore(%arg27 : memref<!tpu.dma_semaphore, #tpu.memory_space<semaphore_mem>>) {add = true}
    %eq3A = arith.constant 0 : i32
    %eq3A_68 = arith.cmpi eq, %add3A, %eq3A : i32
    %convert_element_type3A = arith.extui %eq3A_68 : i1 to i32
    %cond3A = arith.constant 0 : i32
    %cond3A_69 = arith.cmpi ne, %convert_element_type3A, %cond3A : i32
    scf.if %cond3A_69 {
      "tpu.region"() ({
        %run_scoped3A = tpu.sem_alloc : memref<!tpu.dma_semaphore, #tpu.memory_space<semaphore_mem>>
        tpu.enqueue_dma source(%arg6 : memref<16xf32, #tpu.memory_space<hbm>>) target(%arg19 : memref<16xf32, #tpu.memory_space<vmem>>) target_semaphore(%run_scoped3A : memref<!tpu.dma_semaphore, #tpu.memory_space<semaphore_mem>>)
        tpu.wait_dma2 semaphore(%run_scoped3A : memref<!tpu.dma_semaphore, #tpu.memory_space<semaphore_mem>>) src(%arg6 : memref<16xf32, #tpu.memory_space<hbm>>) dst(%arg19 : memref<16xf32, #tpu.memory_space<vmem>>)
        tpu.yield
      }) : () -> ()
      "tpu.region"() ({
        %run_scoped3A = tpu.sem_alloc : memref<!tpu.dma_semaphore, #tpu.memory_space<semaphore_mem>>
        tpu.enqueue_dma source(%arg7 : memref<16xi32, #tpu.memory_space<hbm>>) target(%arg20 : memref<16xi32, #tpu.memory_space<vmem>>) target_semaphore(%run_scoped3A : memref<!tpu.dma_semaphore, #tpu.memory_space<semaphore_mem>>)
        tpu.wait_dma2 semaphore(%run_scoped3A : memref<!tpu.dma_semaphore, #tpu.memory_space<semaphore_mem>>) src(%arg7 : memref<16xi32, #tpu.memory_space<hbm>>) dst(%arg20 : memref<16xi32, #tpu.memory_space<vmem>>)
        tpu.yield
      }) : () -> ()
      "tpu.region"() ({
        %run_scoped3A = tpu.sem_alloc : memref<!tpu.dma_semaphore, #tpu.memory_space<semaphore_mem>>
        tpu.enqueue_dma source(%arg8 : memref<16xi32, #tpu.memory_space<hbm>>) target(%arg21 : memref<16xi32, #tpu.memory_space<vmem>>) target_semaphore(%run_scoped3A : memref<!tpu.dma_semaphore, #tpu.memory_space<semaphore_mem>>)
        tpu.wait_dma2 semaphore(%run_scoped3A : memref<!tpu.dma_semaphore, #tpu.memory_space<semaphore_mem>>) src(%arg8 : memref<16xi32, #tpu.memory_space<hbm>>) dst(%arg21 : memref<16xi32, #tpu.memory_space<vmem>>)
        tpu.yield
      }) : () -> ()
      %iota3A_77 = tpu.iota {dimensions = array<i32: 0>} : vector<16xi32>
      %ge3A = arith.constant 9 : i32
      %ge3A_78 = vector.broadcast %ge3A : i32 to vector<16xi32>
      %ge3A_79 = arith.cmpi sge, %iota3A_77, %ge3A_78 : vector<16xi32>
      %get3A = arith.constant 0 : index
      %get3A_80 = tpu.vector_load %arg20[%get3A] {strides = array<i32>} : memref<16xi32, #tpu.memory_space<vmem>>, vector<16xi32>,
      %gather3A = tpu.vector_load_idx %arg10[%get3A_80] : memref<65536xf32, #tpu.memory_space<vmem>>[vector<16xi32>], vector<16xf32>,
      %get3A_81 = arith.constant 0 : index
      %get3A_82 = tpu.vector_load %arg19[%get3A_81] {strides = array<i32>} : memref<16xf32, #tpu.memory_space<vmem>>, vector<16xf32>,
      %mul3A_83 = arith.mulf %get3A_82, %gather3A : vector<16xf32>
      %broadcast_in_dim3A_84 = arith.constant 0.000000e+00 : f32
      %broadcast_in_dim3A_85 = vector.broadcast %broadcast_in_dim3A_84 : f32 to vector<16xf32>
      %select_n3A = arith.select %ge3A_79, %mul3A_83, %broadcast_in_dim3A_85 : vector<16xi1>, vector<16xf32>
      %swap3A = arith.constant 0 : index
      %swap3A_86 = tpu.vector_load %arg22[%swap3A] {strides = array<i32>} : memref<16xf32, #tpu.memory_space<vmem>>, vector<16xf32>,
      tpu.vector_store %arg22[%swap3A], %select_n3A {strides = array<i32>} : memref<16xf32, #tpu.memory_space<vmem>>, vector<16xf32>,
      %dma_start3A_87 = arith.constant 0 : i32
      %dma_start3A_88 = tpu.memref_slice %arg24[%dma_start3A_87] : memref<65536xf32, #tpu.memory_space<vmem_shared>> -> memref<65536xf32, #tpu.memory_space<vmem_shared>>
      tpu.enqueue_indirect_dma source(%arg22 : memref<16xf32, #tpu.memory_space<vmem>>) target(%dma_start3A_88 : memref<65536xf32, #tpu.memory_space<vmem_shared>>) offsets(%arg21 : memref<16xi32, #tpu.memory_space<vmem>>) semaphore(%arg28 : memref<!tpu.dma_semaphore, #tpu.memory_space<semaphore_mem>>) {add = true}
      %dma_wait3A_89 = arith.constant 0 : i32
      %dma_wait3A_90 = tpu.memref_slice %arg24[%dma_wait3A_89] : memref<65536xf32, #tpu.memory_space<vmem_shared>> -> memref<65536xf32, #tpu.memory_space<vmem_shared>>
      tpu.wait_indirect_dma semaphore(%arg28 : memref<!tpu.dma_semaphore, #tpu.memory_space<semaphore_mem>>) src(%arg22 : memref<16xf32, #tpu.memory_space<vmem>>) dst(%dma_wait3A_90 : memref<65536xf32, #tpu.memory_space<vmem_shared>>)
    } else {
    }
    %dma_wait3A_70 = arith.constant 0 : i32
    %dma_wait3A_71 = tpu.memref_slice %arg24[%dma_wait3A_70] : memref<65536xf32, #tpu.memory_space<vmem_shared>> -> memref<65536xf32, #tpu.memory_space<vmem_shared>>
    tpu.wait_indirect_dma semaphore(%arg27 : memref<!tpu.dma_semaphore, #tpu.memory_space<semaphore_mem>>) src(%arg17 : memref<4096xf32, #tpu.memory_space<vmem>>) dst(%dma_wait3A_71 : memref<65536xf32, #tpu.memory_space<vmem_shared>>)
    %barrier3A_72 = arith.constant 0 : index
    tpu.barrier barrier_id(%barrier3A_72)
    %mul3A_73 = arith.constant 4096 : i32
    %mul3A_74 = arith.muli %arg1, %mul3A_73 : i32
    %mul3A_75 = arith.constant 4096 : i32
    %mul3A_76 = arith.muli %arg1, %mul3A_75 : i32
    "tpu.region"() ({
      %run_scoped3A = tpu.sem_alloc : memref<!tpu.dma_semaphore, #tpu.memory_space<semaphore_mem>>
      %dma_start3A_77 = tpu.memref_slice %arg9[%arg0, %mul3A_76] : memref<2x65536xf32, #tpu.memory_space<hbm>> -> memref<1x4096xf32, #tpu.memory_space<hbm>>
      %dma_start3A_78 = tpu.memref_squeeze %dma_start3A_77 : memref<1x4096xf32, #tpu.memory_space<hbm>> -> memref<4096xf32, #tpu.memory_space<hbm>>
      %dma_start3A_79 = tpu.memref_slice %arg24[%mul3A_74] : memref<65536xf32, #tpu.memory_space<vmem_shared>> -> memref<4096xf32, #tpu.memory_space<vmem_shared>>
      tpu.enqueue_dma source(%dma_start3A_79 : memref<4096xf32, #tpu.memory_space<vmem_shared>>) target(%dma_start3A_78 : memref<4096xf32, #tpu.memory_space<hbm>>) target_semaphore(%run_scoped3A : memref<!tpu.dma_semaphore, #tpu.memory_space<semaphore_mem>>)
      %dma_wait3A_80 = tpu.memref_slice %arg9[%arg0, %mul3A_76] : memref<2x65536xf32, #tpu.memory_space<hbm>> -> memref<1x4096xf32, #tpu.memory_space<hbm>>
      %dma_wait3A_81 = tpu.memref_squeeze %dma_wait3A_80 : memref<1x4096xf32, #tpu.memory_space<hbm>> -> memref<4096xf32, #tpu.memory_space<hbm>>
      %dma_wait3A_82 = tpu.memref_slice %arg24[%mul3A_74] : memref<65536xf32, #tpu.memory_space<vmem_shared>> -> memref<4096xf32, #tpu.memory_space<vmem_shared>>
      tpu.wait_dma2 semaphore(%run_scoped3A : memref<!tpu.dma_semaphore, #tpu.memory_space<semaphore_mem>>) src(%dma_wait3A_82 : memref<4096xf32, #tpu.memory_space<vmem_shared>>) dst(%dma_wait3A_81 : memref<4096xf32, #tpu.memory_space<hbm>>)
      tpu.yield
    }) : () -> ()
    return
  }
}

module attributes {stable_mosaic.version = 14 : i64} {
  func.func @_tc_add_body(%arg0: memref<2x512x128xf32, #tpu.memory_space<vmem>>, %arg1: memref<512x128xf32, #tpu.memory_space<vmem>>) attributes {dimension_semantics = [], scalar_prefetch = 0 : i64, scratch_operands = 0 : i64, tpu.core_type = #tpu.core_type<tc>} {
    %get3A = arith.constant 0 : index
    %get3A_0 = arith.constant 0 : index
    %get3A_1 = arith.constant 0 : index
    %get3A_2 = vector.load %arg0[%get3A, %get3A_0, %get3A_1] : memref<2x512x128xf32, #tpu.memory_space<vmem>>, vector<1x512x128xf32>
    %get3A_3 = vector.shape_cast %get3A_2 : vector<1x512x128xf32> to vector<512x128xf32>
    %get3A_4 = arith.constant 1 : index
    %get3A_5 = arith.constant 0 : index
    %get3A_6 = arith.constant 0 : index
    %get3A_7 = vector.load %arg0[%get3A_4, %get3A_5, %get3A_6] : memref<2x512x128xf32, #tpu.memory_space<vmem>>, vector<1x512x128xf32>
    %get3A_8 = vector.shape_cast %get3A_7 : vector<1x512x128xf32> to vector<512x128xf32>
    %add3A = arith.addf %get3A_3, %get3A_8 : vector<512x128xf32>
    %swap3A = arith.constant 0 : index
    %swap3A_9 = arith.constant 0 : index
    %swap3A_10 = vector.load %arg1[%swap3A, %swap3A_9] : memref<512x128xf32, #tpu.memory_space<vmem>>, vector<512x128xf32>
    tpu.vector_store %arg1[%swap3A, %swap3A_9], %add3A {strides = array<i32>} : memref<512x128xf32, #tpu.memory_space<vmem>>, vector<512x128xf32>,
    return
  }
}

</mosaic_0001>

<sc_bundles>
// kernel: kernel.4.cloned.1.call-start
scs
__scs_entry_jumppad:
0x0: {  	(pc) =	sbr.rel $0x88, $3  }
0x1: {  	(tag) =	ssettag $0x0;
	lr =	simm.s32 $0x1  }
0x2: {  	[smem:$0x3F9D] =	sst lr;
	_ =	strace $0xD0000000  }
0x3: {  	_ = 	snop  }
0x4: {  	_ = 	snop  }
0x5: {  	_ = 	snop  }
0x6: {  	_ = 	snop  }
0x7: {  	_ = 	snop  }
__scs_overlays_trampoline_lowered:
0x8: {  	[smem:$0x3FAC] =	sst s0  }
0x9: {  	[smem:$0x3FAD] =	sst s1  }
0xa: {  	[smem:$0x3FAE] =	sst s2  }
0xb: {  	[smem:$0x3FAF] =	sst s3  }
0xc: {  	[smem:$0x3FB0] =	sst s4  }
0xd: {  	[smem:$0x3FB1] =	sst s5  }
0xe: {  	[smem:$0x3FB2] =	sst s6  }
0xf: {  	[smem:$0x3FB3] =	sst s7  }
0x10: {  	[smem:$0x3FB4] =	sst s8  }
0x11: {  	[smem:$0x3FB5] =	sst s9;
	s0 =	simm.s32 @!p0 $0x0  }
0x12: {  	s1 =	sld [smem:$0x3F9B];
	s0 =	simm.s32 @p0 $0x1  }
0x13: {  	[smem:$0x3FB6] =	sst s0;
	s0 =	simm.s32 @!p1 $0x0  }
0x14: {  	s2 =	sld [smem:$0x3F9A];
	s0 =	simm.s32 @p1 $0x1  }
0x15: {  	[smem:$0x3FB7] =	sst s0;
	s0 =	simm.s32 @!p2 $0x0  }
0x16: {  	s3 =	sld [smem:$0x3FDB];
	s0 =	simm.s32 @p2 $0x1  }
0x17: {  	s4 =	simm.s32 $0x1BF5;
	[smem:$0x3FB9] =	sst s0  }
0x18: {  	s0 =	sld [smem:$0x3F9C];
	_ =	swait.ge [sflag:s4], $0x0  }
0x19: {  	s7 =	sld [smem:$0x3F9D]  }
0x1a: {  	s8 =	sadd.s32 $0xFFFFE003, lr  }
0x1b: {  	s9 =	sadd.s32 $0xFFFFFEF7, lr;
	s5 =	simm.s32 $0xFFFFFFFF;
	p2 =	slt.u32 s8, $0xFFFFF086  }
0x1c: {  	p1 =	slt.u32 s9, $0xF7A;
	s5 =	simm.s32 @!p2 $0x0  }
0x1d: {  	s5 =	simm.s32 @p1 $0x1;
	p0 =	seq.s32 s7, s2  }
0x1e: {  	s7 =	smul.u32 @!p0 $0xF7A, s2;
	p2 =	seq.s32 @!p0 s5, $0x0  }
0x1f: {  	s9 =	smul.u32 $0xF7A, s1;
	s8 =	simm.s32 @!p0 $0x1BF5;
	p2 =	por !p2, p0  }
0x20: {  	[sflag:s8] =	ssyncset.s32 @!p0 $0xFFFFF086;
	s6 =	sadd.s32 @!p0 s3, s7;
	s7 =	simm.s32 @!p0 $0x108  }
0x21: {  	s3 =	sadd.s32 s3, s9;
	s6 =	sadd.s32 @!p0 $0x88, s6;
	s7 =	simm.s32 @p2 $0x1082  }
0x22: {  	[simem:s7], [sflag:s8] =	dma.local @!p0 [hbm:s6], $0xF7A  }
0x23: {  	s9 =	sor.u32 $0xD0000000, s2;
	s6 =	simm.s32 $0x108;
	_ =	swait.ge @!p0 [sflag:s8], $0x0  }
0x24: {  	s3 =	sadd.s32 $0x88, s3;
	s6 =	simm.s32 @!p1 $0x1082;
	[sflag:s4] =	ssyncset.s32 $0xFFFFF086  }
0x25: {  	[simem:s6], [sflag:s4] =	dma.local [hbm:s3], $0xF7A  }
0x26: {  	[smem:$0x3F9D] =	sst s1;
	(tag) =	ssettag s2;
	_ =	strace s9  }
0x27: {  	s1 =	sld [smem:$0x3FAD]  }
0x28: {  	s2 =	sld [smem:$0x3FAE]  }
0x29: {  	s4 =	sld [smem:$0x3FB0]  }
0x2a: {  	p0 =	seq.s32 s5, $0x0;
	s5 =	sld [smem:$0x3FB1]  }
0x2b: {  	s6 =	sld [smem:$0x3FB2]  }
0x2c: {  	s7 =	sld [smem:$0x3FB3]  }
0x2d: {  	s3 =	simm.s32 $0x108;
	s8 =	sld [smem:$0x3FB4]  }
0x2e: {  	s3 =	simm.s32 @!p0 $0x1082;
	s9 =	sld [smem:$0x3FB5]  }
0x2f: {  	lr =	sadd.s32 s0, s3;
	s0 =	sld [smem:$0x3FAC]  }
0x30: {  	s3 =	sld [smem:$0x3FAF]  }
0x31: {  	[smem:$0x3FB8] =	sst s10  }
0x32: {  	s10 =	sld [smem:$0x3FB6];
	_ =	sdelay $0x3  }
0x33: {  	p0 =	seq.s32 s10, $0x1;
	s10 =	sld [smem:$0x3FB8];
	_ =	sdelay $0x3  }
0x34: {  	[smem:$0x3FB8] =	sst s10  }
0x35: {  	s10 =	sld [smem:$0x3FB7];
	_ =	sdelay $0x3  }
0x36: {  	p1 =	seq.s32 s10, $0x1;
	s10 =	sld [smem:$0x3FB8];
	_ =	sdelay $0x3  }
0x37: {  	[smem:$0x3FB8] =	sst s10  }
0x38: {  	s10 =	sld [smem:$0x3FB9]  }
0x39: {  	_ = 	snop;
	(pc) =	sbr.ind lr, $3  }
0x3a: {  	_ = 	snop  }
0x3b: {  	_ = 	snop  }
0x3c: {  	p2 =	seq.s32 s10, $0x1;
	s10 =	sld [smem:$0x3FB8]  }
0x3d: {  	_ =	shalt  }
0x3e: {  	_ =	shalt  }
0x3f: {  	_ =	shalt  }
0x40: {  	_ =	shalt  }
0x41: {  	_ =	shalt  }
0x42: {  	_ =	shalt  }
0x43: {  	_ =	shalt  }
0x44: {  	_ =	shalt  }
0x45: {  	_ =	shalt  }
0x46: {  	_ =	shalt  }
0x47: {  	_ =	shalt  }
0x48: {  	_ =	shalt  }
0x49: {  	_ =	shalt  }
0x4a: {  	_ =	shalt  }
0x4b: {  	_ =	shalt  }
0x4c: {  	_ =	shalt  }
0x4d: {  	_ =	shalt  }
0x4e: {  	_ =	shalt  }
0x4f: {  	_ =	shalt  }
0x50: {  	_ =	shalt  }
0x51: {  	_ =	shalt  }
0x52: {  	_ =	shalt  }
0x53: {  	_ =	shalt  }
0x54: {  	_ =	shalt  }
0x55: {  	_ =	shalt  }
0x56: {  	_ =	shalt  }
0x57: {  	_ =	shalt  }
0x58: {  	_ =	shalt  }
0x59: {  	_ =	shalt  }
0x5a: {  	_ =	shalt  }
0x5b: {  	_ =	shalt  }
0x5c: {  	_ =	shalt  }
0x5d: {  	_ =	shalt  }
0x5e: {  	_ =	shalt  }
0x5f: {  	_ =	shalt  }
0x60: {  	_ =	shalt  }
0x61: {  	_ =	shalt  }
0x62: {  	_ =	shalt  }
0x63: {  	_ =	shalt  }
0x64: {  	_ =	shalt  }
0x65: {  	_ =	shalt  }
0x66: {  	_ =	shalt  }
0x67: {  	_ =	shalt  }
0x68: {  	_ =	shalt  }
0x69: {  	_ =	shalt  }
0x6a: {  	_ =	shalt  }
0x6b: {  	_ =	shalt  }
0x6c: {  	_ =	shalt  }
0x6d: {  	_ =	shalt  }
0x6e: {  	_ =	shalt  }
0x6f: {  	_ =	shalt  }
0x70: {  	_ =	shalt  }
0x71: {  	_ =	shalt  }
0x72: {  	_ =	shalt  }
0x73: {  	_ =	shalt  }
0x74: {  	_ =	shalt  }
0x75: {  	_ =	shalt  }
0x76: {  	_ =	shalt  }
0x77: {  	_ =	shalt  }
0x78: {  	_ =	shalt  }
0x79: {  	_ =	shalt  }
0x7a: {  	_ =	shalt  }
0x7b: {  	_ =	shalt  }
0x7c: {  	_ =	shalt  }
0x7d: {  	_ =	shalt  }
0x7e: {  	_ =	shalt  }
0x7f: {  	_ =	shalt  }
0x80: {  	_ =	shalt  }
0x81: {  	_ =	shalt  }
0x82: {  	_ =	shalt  }
0x83: {  	_ =	shalt  }
0x84: {  	_ =	shalt  }
0x85: {  	_ =	shalt  }
0x86: {  	_ =	shalt  }
0x87: {  	_ =	shalt  }
.Lfunc_end0:
.L_simem_size_0:
called_computation_lowered:
.L_overlay_start_0:
0x88: {  	s2 =	sld [smem:$0x3FD9]  }
0x89: {  	s3 =	sld [smem:$0x3FFE];
	_ =	sdelay $0x1  }
0x8a: {  	s1 =	srdreg.scid  }
0x8b: {  	s0 =	sand.u32 $0x1, s1  }
0x8c: {  	s17 =	sshll.u32 s0, $0xA;
	s2 =	sadd.s32 s3, s2  }
0x8d: {  	s2 =	sadd.s32 s2, s17  }
0x8e: {  	[smem:$0x3FC4] =	sst s2  }
0x8f: {  	_ = 	snop  }
0x90: {  	s2 =	sld [smem:$0x3FC9]  }
0x91: {  	s18 =	sld [smem:$0x3FC8]  }
0x92: {  	s4 =	sld [smem:$0x3FC7]  }
0x93: {  	s5 =	sld [smem:$0x3FC6]  }
0x94: {  	s6 =	sld [smem:$0x3FD0];
	(tm) =	ssettm $0x1  }
0x95: {  	s7 =	sld [smem:$0x3FFB];
	_ =	sdelay $0x3  }
0x96: {  	_ =	strace s7  }
0x97: {  	s7 =	sld [smem:$0x3FFC];
	_ =	sdelay $0x3  }
0x98: {  	_ =	strace s7  }
0x99: {  	s7 =	sld [smem:$0x3FFD];
	_ =	sdelay $0x3  }
0x9a: {  	_ =	strace s7  }
0x9b: {  	_ =	strace $0x8FFFFFFF  }
0x9c: {  	s19 =	sld [smem:$0x3FDB];
	_ =	sdelay $0x1  }
0x9d: {  	s8 =	simm.s32 $_scs_section_size  }
0x9e: {  	s9 =	simm.s32 $_size__tile_overlayer_lowered;
	s10 =	simm.s32 $_tile_overlayer_lowered  }
0x9f: {  	s22 =	simm.s32 $0x1BFF;
	s21 =	sshll.u32 s10, $0x1;
	s7 =	sadd.s32 s8, s19  }
0xa0: {  	s11 =	simm.s32 $0x0;
	s20 =	sshll.u32 s9, $0x1;
	s9 =	sadd.s32 s21, s7  }
0xa1: {  	[timem:s11], [sflag:s22] =	dma.local [hbm:s9], s20  }
0xa2: {  	_ =	swait.ge [sflag:s22], s20  }
0xa3: {  	s8 =	ssub.s32 $0x0, s20;
	[sflag:s22] =	ssyncset.done $0x0  }
0xa4: {  	[sflag:s22] =	ssyncadd.s32 s8;
	_ =	sdelay $0x1  }
0xa5: {  	s23 =	simm.s32 $0x1B8B  }
0xa6: {  	_ =	swait.ge [sflag:s23], $0x1  }
0xa7: {  	[sflag:s23] =	ssyncset.done $0x0  }
0xa8: {  	s25 =	simm.s32 $0x1B8E;
	s24 =	sld [smem:$0x3FFE];
	[sflag:s23] =	ssyncadd.s32 $0xFFFFFFFF  }
0xa9: {  	s26 =	simm.s32 $execute0_lowered;
	[smem:$0x3FD2] =	sst s25  }
0xaa: {  	s9 =	sshll.u32 s26, $0x1;
	_ =	strace $0x80000046;
	[dreg:$0x1] =	wrdreg $0xFFFFFFFF  }
0xab: {  	s28 =	simm.s32 $_size_execute0_lowered;
	s7 =	sadd.s32 s7, s9;
	[dreg:$0x0] =	wrdreg $0x0  }
0xac: {  	s9 =	sshll.u32 s28, $0x1;
	[dreg:$0x2] =	wrdreg s7  }
0xad: {  	[dreg:$0x3] =	wrdreg s9  }
0xae: {  	[dreg:$0x4] =	wrdreg $0xC0  }
0xaf: {  	_ =	task [dreg:s11], $0x5FFFF  }
0xb0: {  	[dreg:$0x1] =	wrdreg $0xFFFFFFFF  }
0xb1: {  	[dreg:$0x0] =	wrdreg $0x60  }
0xb2: {  	[dreg:$0x2] =	wrdreg s2  }
0xb3: {  	[dreg:$0x3] =	wrdreg s18  }
0xb4: {  	[dreg:$0x4] =	wrdreg s5  }
0xb5: {  	[dreg:$0x5] =	wrdreg s4  }
0xb6: {  	[dreg:$0x6] =	wrdreg s6  }
0xb7: {  	[dreg:$0x7] =	wrdreg s24  }
0xb8: {  	[dreg:$0x8] =	wrdreg $0x192000  }
0xb9: {  	[dreg:$0x9] =	wrdreg $0x9  }
0xba: {  	_ =	task.clear_ibuf [dreg:s11], $0xAFFFF;
	_ =	strace $0x90000046  }
0xbb: {  	s29 =	simm.s32 $0x9;
	_ =	strace $0x80000048  }
0xbc: {  	_ =	swait.ge [sflag:s29], $0x1  }
0xbd: {  	[sflag:s29] =	ssyncadd.s32 $0xFFFFFFFF  }
0xbe: {  	_ =	strace $0x90000048  }
0xbf: {  	_ =	sfence  }
0xc0: {  	s30 =	sld [smem:$0x0];
	_ =	sdelay $0x2  }
0xc1: {  	s31 =	sshll.u32 s1, $0xD;
	s1 =	sshrl.u32 s1, $0x2  }
0xc2: {  	s3 =	sand.u32 $0x4000, s31;
	s1 =	sadd.s32 s1, s30  }
0xc3: {  	s0 =	sor.u32 s3, s0;
	s1 =	sshll.u32 s1, $0x11  }
0xc4: {  	s0 =	sor.u32 s1, s0  }
0xc5: {  	s0 =	sadd.s32 $0x8F2B, s0  }
0xc6: {  	[sflag:s0] =	ssyncadd.remote.s32 $0x1  }
0xc7: {  	_ =	sfence.sel $0xFFFF  }
0xc8: {  	[dreg:$0x0] =	wrdreg $0xFFFFFFFF;
	(pc) =	sbr.abs _section_cstart, $3  }
0xc9: {  	[dreg:$0x1] =	wrdreg $0xFFFFFFFF  }
0xca: {  	_ =	task.clear_ibuf [dreg:s11], $0x2FFFF;
	_ =	strace $0x9FFFFFFF  }
0xcb: {  	(tm) =	ssettm $0x7FFFFFFF  }
tec
execute0_lowered:
.L_overlay_start_1:
0x0: {  	(tag) =	ssettag $0x1  }
0x1: {  	s2 =	rddreg [dreg:$0x1]  }
0x2: {  	s3 =	rddreg [dreg:$0x2]  }
0x3: {  	s4 =	rddreg [dreg:$0x3]  }
0x4: {  	s0 =	rddreg [dreg:$0x5]  }
0x5: {  	s6 =	rddreg [dreg:$0x6];
	s7 =	simm.s32 $0x0;
	s1 =	srdreg.scid  }
0x6: {  	s9 =	stileid.u32;
	s28 =	simm.s32 $0x5;
	s29 =	simm.s32 $0x10000  }
0x7: {  	s30 =	simm.s32 $0x12000;
	s31 =	simm.s32 $0x14000;
	[smem:$0x7FF] =	sst s7  }
0x8: {  	s5 =	sadd.s32 $0x600, s0;
	s1 =	sand.u32 $0x1, s1;
	s12 =	sadd.s32 $0x400, s0  }
0x9: {  	s14 =	sshll.u32 s9, $0xC;
	_ =	strace $0x80000047;
	[dreg:$0x8] =	wrdreg s5  }
0xa: {  	[dreg:$0x9] =	wrdreg s12;
	s13 =	sshll.u32 s1, $0x4;
	s1 =	ssub.s32 $0x2, s1  }
0xb: {  	s21 =	sadd.s32 s14, s6;
	s14 =	simm.s32 $0x4;
	s0 =	sadd.s32 s13, s0  }
0xc: {  	s8 =	sshrl.u32 s1, $0x1;
	s5 =	sor.u32 s9, s13;
	s9 =	sshll.u32 s9, $0xA  }
0xd: {  	[dreg:$0xa] =	wrdreg s21;
	s1 =	ssub.s32 s1, s8;
	s15 =	sshll.u32 s5, $0xE  }
0xe: {  	s10 =	sshll.u32 s5, $0x11;
	s12 =	smul.u32 $0xC4A, s5;
	s0 =	sadd.s32 s9, s0  }
0xf: {  	p0 =	sne.s32 s5, $0x0;
	s9 =	simm.s32 $0x1000;
	s11 =	sadd.s32 s2, s15  }
0x10: {  	s16 =	sadd.s32 s3, s15;
	s17 =	sadd.s32 s4, s15;
	[dreg:$0xb] =	wrdreg s11  }
0x11: {  	s8 =	sor.u32 $0x200, s15;
	s0 =	sadd.s32 $0x800, s0;
	[dreg:$0xc] =	wrdreg s16  }
0x12: {  	s26 =	smax.u32 s1, $0x1;
	s1 =	simm.s32 $0x11000;
	[dreg:$0xd] =	wrdreg s17  }
0x13: {  	s15 =	simm.s32 $0x0;
	s18 =	sadd.s32 s2, s8;
	[dreg:$0x14] =	wrdreg s0  }
0x14: {  	s19 =	sadd.s32 s3, s8;
	s13 =	sor.u32 $0x400000, s12;
	[dreg:$0x15] =	wrdreg s26  }
0x15: {  	s8 =	sadd.s32 s4, s8;
	s22 =	smin.u32 s12, $0x17CE6;
	[dreg:$0xe] =	wrdreg s18  }
0x16: {  	s0 =	simm.s32 $0x13000;
	[dreg:$0xf] =	wrdreg s19;
	s20 =	sand.u32 $0x41FFF8, s13  }
0x17: {  	s26 =	simm.s32 $0x1;
	[dreg:$0x10] =	wrdreg s8;
	s20 =	smin.u32 s20, $0x417930  }
0x18: {  	s18 =	sor.u32 $0x2000, s10;
	s19 =	sor.u32 $0x3000, s10;
	s23 =	sshrl.u32 s20, $0x3  }
0x19: {  	s12 =	sadd.s32 $0x400C4A, s22;
	s8 =	simm.s32 $0x16000;
	s24 =	sadd.s32 s2, s23  }
0x1a: {  	s10 =	simm.s32 $0x2;
	s25 =	sadd.s32 s3, s23;
	[dreg:$0x11] =	wrdreg s24  }
0x1b: {  	v2 =	vimm.f32 $0.0e+00;
	v0 =	vmov s13;
	s13 =	simm.s32 $0x3;
	s5 =	sadd.s32 s4, s23;
	[dreg:$0x12] =	wrdreg s25  }
0x1c: {  	v3 =	vlaneseq.u32;
	vm0 =	vmmov @!p0 $0x1ff;
	v1 =	vmov s12;
	s12 =	simm.s32 $0x17000;
	[dreg:$0x13] =	wrdreg s5;
	s5 =	simm.s32 $0x15000  }
.LBB2_1:
0x1d: {  	s16 =	simm.s32 $0x40;
	s17 =	simm.s32 $0x0  }
.LBB2_2:
0x1e: {  	p1 =	sne.s32 s16, $0x3FC0;
	[tilespmem:s17+$0x18200] =	vst v2;
	s17 =	smov.u32 s16;
	s16 =	sadd.s32 $0x40, s16  }
.Ltmp0:
0x1f: {  	(pc) =	sbr.rel @p1 .LBB2_2-.Ltmp0, $2  }
0x20: {  	_ =	sdelay $0x2  }
0x21: {  	s17 =	sshra.s32 s17, $0x2  }
0x22: {  	[tilespmem:s17+$0x18200] =	vst v2;
	s11 =	simm.s32 $0x18200  }
0x23: {  	[spmem:s21] =	stream.linear.scatter [tilespmem:s11], [sflag:$0x5], $0x1000, $0x38;
	[tilespmem:$0x1A200] =	vst v63  }
0x24: {  	_ =	swait.ge [sflag:s28], $0x1000  }
0x25: {  	[sflag:s28] =	ssyncset.done $0x0  }
0x26: {  	[sflag:s28] =	ssyncadd.s32 $0xFFFFF000  }
0x27: {  	s16 =	simm.s32 $0x0;
	s25 =	rddreg [dreg:$0x0]  }
0x28: {  	[tilespmem:s16], [sflag:$0x5] =	stream.linear.gather [hbm4b:s25+s16], $0x10000, $0x38;
	[tilespmem:$0x1A200] =	vst v63  }
0x29: {  	_ =	swait.ge [sflag:s28], $0x10000  }
0x2a: {  	[sflag:s28] =	ssyncset.done $0x0  }
0x2b: {  	[sflag:s28] =	ssyncadd.s32 $0xFFFF0000  }
0x2c: {  	[bflag:$0x0] =	sbarrier.arrive $0xFFFF  }
0x2d: {  	s17 =	rddreg [dreg:$0xb]  }
0x2e: {  	[tilespmem:s29], [sflag:$0x1] =	stream.linear.gather [hbm4b:s17+s16], $0x1000, $0x38;
	[tilespmem:$0x1A200] =	vst v63  }
0x2f: {  	s21 =	rddreg [dreg:$0xc]  }
0x30: {  	[tilespmem:s30], [sflag:$0x1] =	stream.linear.gather [hbm4b:s21+s16], $0x1000, $0x38;
	[tilespmem:$0x1A200] =	vst v63  }
0x31: {  	s22 =	rddreg [dreg:$0xd]  }
0x32: {  	[tilespmem:s31], [sflag:$0x1] =	stream.linear.gather [hbm4b:s22+s16], $0x1000, $0x38;
	[tilespmem:$0x1A200] =	vst v63  }
0x33: {  	s23 =	rddreg [dreg:$0xe]  }
0x34: {  	[tilespmem:s1], [sflag:$0x2] =	stream.linear.gather [hbm4b:s23+s16], $0x1000, $0x38;
	[tilespmem:$0x1A200] =	vst v63  }
0x35: {  	s24 =	rddreg [dreg:$0xf]  }
0x36: {  	[tilespmem:s0], [sflag:$0x2] =	stream.linear.gather [hbm4b:s24+s16], $0x1000, $0x38;
	[tilespmem:$0x1A200] =	vst v63  }
0x37: {  	s25 =	rddreg [dreg:$0x10]  }
0x38: {  	[tilespmem:s5], [sflag:$0x2] =	stream.linear.gather [hbm4b:s25+s16], $0x1000, $0x38;
	[tilespmem:$0x1A200] =	vst v63  }
.LBB2_4:
0x39: {  	_ =	swait.ge [sflag:s26], $0x1000  }
0x3a: {  	[sflag:s26] =	ssyncset.done $0x0  }
0x3b: {  	[sflag:s26] =	ssyncadd.s32 $0xFFFFF000  }
0x3c: {  	_ =	swait.ge [sflag:s26], $0x1000  }
0x3d: {  	[sflag:s26] =	ssyncset.done $0x0  }
0x3e: {  	[sflag:s26] =	ssyncadd.s32 $0xFFFFF000  }
0x3f: {  	_ =	swait.ge [sflag:s26], $0x1000  }
0x40: {  	[sflag:s26] =	ssyncset.done $0x0  }
0x41: {  	s17 =	simm.s32 $0x0;
	[sflag:s26] =	ssyncadd.s32 $0xFFFFF000  }
0x42: {  	v4 =	vld [tilespmem:s17+$0x12000];
	_ =	sdelay $0x5  }
0x43: {  	v5 =	vld [tilespmem:s17+$0x10000]  }
0x44: {  	v6 =	vld [tilespmem:s17+$0x12010]  }
0x45: {  	v4 =	vld.idx.msk [tilespmem:v4+s7+$0x0], $0xffff;
	_ =	sdelay $0x4  }
0x46: {  	v4 =	vmul.f32 v5, v4;
	_ =	sdelay $0x1  }
0x47: {  	[tilespmem:s17+$0x16000] =	vst v4;
	v4 =	vld [tilespmem:s17+$0x10010]  }
0x48: {  	v5 =	vld.idx.msk [tilespmem:v6+s7+$0x0], $0xffff  }
0x49: {  	v6 =	vld [tilespmem:s17+$0x12020];
	_ =	sdelay $0x4  }
0x4a: {  	v4 =	vmul.f32 v4, v5;
	_ =	sdelay $0x1  }
0x4b: {  	[tilespmem:s17+$0x16010] =	vst v4;
	v4 =	vld [tilespmem:s17+$0x10020]  }
0x4c: {  	v5 =	vld.idx.msk [tilespmem:v6+s7+$0x0], $0xffff  }
0x4d: {  	v6 =	vld [tilespmem:s17+$0x12030];
	_ =	sdelay $0x4  }
0x4e: {  	v4 =	vmul.f32 v4, v5;
	_ =	sdelay $0x1  }
0x4f: {  	[tilespmem:s17+$0x16020] =	vst v4;
	v4 =	vld [tilespmem:s17+$0x10030]  }
0x50: {  	v5 =	vld.idx.msk [tilespmem:v6+s7+$0x0], $0xffff  }
0x51: {  	v6 =	vld [tilespmem:s17+$0x12040];
	_ =	sdelay $0x4  }
0x52: {  	v4 =	vmul.f32 v4, v5;
	_ =	sdelay $0x1  }
0x53: {  	[tilespmem:s17+$0x16030] =	vst v4;
	v4 =	vld [tilespmem:s17+$0x10040]  }
0x54: {  	v5 =	vld.idx.msk [tilespmem:v6+s7+$0x0], $0xffff  }
0x55: {  	v6 =	vld [tilespmem:s17+$0x12050];
	_ =	sdelay $0x4  }
0x56: {  	v4 =	vmul.f32 v4, v5;
	_ =	sdelay $0x1  }
0x57: {  	[tilespmem:s17+$0x16040] =	vst v4;
	v4 =	vld [tilespmem:s17+$0x10050]  }
0x58: {  	v5 =	vld.idx.msk [tilespmem:v6+s7+$0x0], $0xffff  }
0x59: {  	v6 =	vld [tilespmem:s17+$0x12060];
	_ =	sdelay $0x4  }
0x5a: {  	v4 =	vmul.f32 v4, v5;
	_ =	sdelay $0x1  }
0x5b: {  	[tilespmem:s17+$0x16050] =	vst v4;
	v4 =	vld [tilespmem:s17+$0x10060]  }
0x5c: {  	v5 =	vld.idx.msk [tilespmem:v6+s7+$0x0], $0xffff  }
0x5d: {  	v6 =	vld [tilespmem:s17+$0x12070];
	_ =	sdelay $0x4  }
0x5e: {  	v4 =	vmul.f32 v4, v5;
	_ =	sdelay $0x1  }
0x5f: {  	[tilespmem:s17+$0x16060] =	vst v4;
	v4 =	vld [tilespmem:s17+$0x10070]  }
0x60: {  	s22 =	simm.s32 $0x80;
	s21 =	simm.s32 $0x400;
	v5 =	vld.idx.msk [tilespmem:v6+s7+$0x0], $0xffff  }
.LBB2_5:
0x61: {  	p1 =	sne.s32 s21, $0x3E00;
	v6 =	vld [tilespmem:s22+$0x12000];
	_ =	sdelay $0x4  }
0x62: {  	v4 =	vmul.f32 v4, v5;
	_ =	sdelay $0x1  }
0x63: {  	v5 =	vld [tilespmem:s22+$0x10000];
	[tilespmem:s17+$0x16070] =	vst v4;
	s17 =	smov.u32 s22  }
0x64: {  	v4 =	vld.idx.msk [tilespmem:v6+s7+$0x0], $0xffff  }
0x65: {  	v6 =	vld [tilespmem:s17+$0x12010];
	_ =	sdelay $0x4  }
0x66: {  	v4 =	vmul.f32 v5, v4;
	_ =	sdelay $0x1  }
0x67: {  	[tilespmem:s17+$0x16000] =	vst v4;
	v4 =	vld [tilespmem:s17+$0x10010]  }
0x68: {  	v5 =	vld.idx.msk [tilespmem:v6+s7+$0x0], $0xffff  }
0x69: {  	v6 =	vld [tilespmem:s17+$0x12020];
	_ =	sdelay $0x4  }
0x6a: {  	v4 =	vmul.f32 v4, v5;
	_ =	sdelay $0x1  }
0x6b: {  	[tilespmem:s17+$0x16010] =	vst v4;
	v4 =	vld [tilespmem:s17+$0x10020]  }
0x6c: {  	v5 =	vld.idx.msk [tilespmem:v6+s7+$0x0], $0xffff  }
0x6d: {  	v6 =	vld [tilespmem:s17+$0x12030];
	_ =	sdelay $0x4  }
0x6e: {  	v4 =	vmul.f32 v4, v5;
	_ =	sdelay $0x1  }
0x6f: {  	[tilespmem:s17+$0x16020] =	vst v4;
	v4 =	vld [tilespmem:s17+$0x10030]  }
0x70: {  	v5 =	vld.idx.msk [tilespmem:v6+s7+$0x0], $0xffff  }
0x71: {  	v6 =	vld [tilespmem:s17+$0x12040];
	_ =	sdelay $0x4  }
0x72: {  	v4 =	vmul.f32 v4, v5;
	_ =	sdelay $0x1  }
0x73: {  	[tilespmem:s17+$0x16030] =	vst v4;
	v4 =	vld [tilespmem:s17+$0x10040]  }
0x74: {  	v5 =	vld.idx.msk [tilespmem:v6+s7+$0x0], $0xffff  }
0x75: {  	v6 =	vld [tilespmem:s17+$0x12050];
	_ =	sdelay $0x4  }
0x76: {  	v4 =	vmul.f32 v4, v5;
	_ =	sdelay $0x1  }
0x77: {  	[tilespmem:s17+$0x16040] =	vst v4;
	v4 =	vld [tilespmem:s17+$0x10050]  }
0x78: {  	v5 =	vld.idx.msk [tilespmem:v6+s7+$0x0], $0xffff  }
0x79: {  	v6 =	vld [tilespmem:s17+$0x12060];
	_ =	sdelay $0x4  }
0x7a: {  	v4 =	vmul.f32 v4, v5;
	_ =	sdelay $0x1  }
0x7b: {  	[tilespmem:s17+$0x16050] =	vst v4;
	v4 =	vld [tilespmem:s17+$0x10060]  }
0x7c: {  	v5 =	vld.idx.msk [tilespmem:v6+s7+$0x0], $0xffff  }
0x7d: {  	v6 =	vld [tilespmem:s17+$0x12070];
	_ =	sdelay $0x3  }
.Ltmp1:
0x7e: {  	(pc) =	sbr.rel @p1 .LBB2_5-.Ltmp1, $3  }
0x7f: {  	v4 =	vmul.f32 v4, v5;
	_ =	sdelay $0x1  }
0x80: {  	[tilespmem:s17+$0x16060] =	vst v4;
	v4 =	vld [tilespmem:s17+$0x10070]  }
0x81: {  	s22 =	sshra.s32 s21, $0x2;
	s21 =	sadd.s32 $0x200, s21;
	v5 =	vld.idx.msk [tilespmem:v6+s7+$0x0], $0xffff  }
0x82: {  	v6 =	vld [tilespmem:s22+$0x12000];
	_ =	sdelay $0x4  }
0x83: {  	v4 =	vmul.f32 v4, v5;
	_ =	sdelay $0x1  }
0x84: {  	v5 =	vld [tilespmem:s22+$0x10000];
	[tilespmem:s17+$0x16070] =	vst v4  }
0x85: {  	v4 =	vld.idx.msk [tilespmem:v6+s7+$0x0], $0xffff  }
0x86: {  	v6 =	vld [tilespmem:s22+$0x12010];
	_ =	sdelay $0x4  }
0x87: {  	v4 =	vmul.f32 v5, v4;
	_ =	sdelay $0x1  }
0x88: {  	[tilespmem:s22+$0x16000] =	vst v4;
	v4 =	vld [tilespmem:s22+$0x10010]  }
0x89: {  	v5 =	vld.idx.msk [tilespmem:v6+s7+$0x0], $0xffff  }
0x8a: {  	v6 =	vld [tilespmem:s22+$0x12020];
	_ =	sdelay $0x4  }
0x8b: {  	v4 =	vmul.f32 v4, v5;
	_ =	sdelay $0x1  }
0x8c: {  	[tilespmem:s22+$0x16010] =	vst v4;
	v4 =	vld [tilespmem:s22+$0x10020]  }
0x8d: {  	v5 =	vld.idx.msk [tilespmem:v6+s7+$0x0], $0xffff  }
0x8e: {  	v6 =	vld [tilespmem:s22+$0x12030];
	_ =	sdelay $0x4  }
0x8f: {  	v4 =	vmul.f32 v4, v5;
	_ =	sdelay $0x1  }
0x90: {  	[tilespmem:s22+$0x16020] =	vst v4;
	v4 =	vld [tilespmem:s22+$0x10030]  }
0x91: {  	v5 =	vld.idx.msk [tilespmem:v6+s7+$0x0], $0xffff  }
0x92: {  	v6 =	vld [tilespmem:s22+$0x12040];
	_ =	sdelay $0x4  }
0x93: {  	v4 =	vmul.f32 v4, v5;
	_ =	sdelay $0x1  }
0x94: {  	[tilespmem:s22+$0x16030] =	vst v4;
	v4 =	vld [tilespmem:s22+$0x10040]  }
0x95: {  	v5 =	vld.idx.msk [tilespmem:v6+s7+$0x0], $0xffff  }
0x96: {  	v6 =	vld [tilespmem:s22+$0x12050];
	_ =	sdelay $0x4  }
0x97: {  	v4 =	vmul.f32 v4, v5;
	_ =	sdelay $0x1  }
0x98: {  	[tilespmem:s22+$0x16040] =	vst v4;
	v4 =	vld [tilespmem:s22+$0x10050]  }
0x99: {  	v5 =	vld.idx.msk [tilespmem:v6+s7+$0x0], $0xffff  }
0x9a: {  	v6 =	vld [tilespmem:s22+$0x12060];
	_ =	sdelay $0x4  }
0x9b: {  	v4 =	vmul.f32 v4, v5;
	_ =	sdelay $0x1  }
0x9c: {  	[tilespmem:s22+$0x16050] =	vst v4;
	v4 =	vld [tilespmem:s22+$0x10060]  }
0x9d: {  	v5 =	vld.idx.msk [tilespmem:v6+s7+$0x0], $0xffff  }
0x9e: {  	v6 =	vld [tilespmem:s22+$0x12070];
	_ =	sdelay $0x4  }
0x9f: {  	v4 =	vmul.f32 v4, v5;
	_ =	sdelay $0x1  }
0xa0: {  	[tilespmem:s22+$0x16060] =	vst v4;
	v4 =	vld [tilespmem:s22+$0x10070]  }
0xa1: {  	v5 =	vld.idx.msk [tilespmem:v6+s7+$0x0], $0xffff;
	_ =	sdelay $0x4  }
0xa2: {  	v4 =	vmul.f32 v4, v5;
	_ =	sdelay $0x1  }
0xa3: {  	[tilespmem:s22+$0x16070] =	vst v4  }
0xa4: {  	[spmem:s6] =	stream.indirect.scatter.add.f32 [tilespmem:s8], [sflag:$0x3], $0x1, s31, s9, $0xb8;
	[tilespmem:$0x1A200] =	vst v63  }
0xa5: {  	_ =	swait.ge [sflag:s10], $0x1000  }
0xa6: {  	[sflag:s10] =	ssyncset.done $0x0  }
0xa7: {  	[sflag:s10] =	ssyncadd.s32 $0xFFFFF000  }
0xa8: {  	_ =	swait.ge [sflag:s10], $0x1000  }
0xa9: {  	[sflag:s10] =	ssyncset.done $0x0  }
0xaa: {  	[sflag:s10] =	ssyncadd.s32 $0xFFFFF000  }
0xab: {  	_ =	swait.ge [sflag:s10], $0x1000  }
0xac: {  	[sflag:s10] =	ssyncset.done $0x0  }
0xad: {  	s17 =	simm.s32 $0x0;
	[sflag:s10] =	ssyncadd.s32 $0xFFFFF000  }
0xae: {  	v4 =	vld [tilespmem:s17+$0x13000];
	_ =	sdelay $0x5  }
0xaf: {  	v5 =	vld [tilespmem:s17+$0x11000]  }
0xb0: {  	v6 =	vld [tilespmem:s17+$0x13010]  }
0xb1: {  	v4 =	vld.idx.msk [tilespmem:v4+s7+$0x0], $0xffff;
	_ =	sdelay $0x4  }
0xb2: {  	v4 =	vmul.f32 v5, v4;
	_ =	sdelay $0x1  }
0xb3: {  	[tilespmem:s17+$0x17000] =	vst v4;
	v4 =	vld [tilespmem:s17+$0x11010]  }
0xb4: {  	v5 =	vld.idx.msk [tilespmem:v6+s7+$0x0], $0xffff  }
0xb5: {  	v6 =	vld [tilespmem:s17+$0x13020];
	_ =	sdelay $0x4  }
0xb6: {  	v4 =	vmul.f32 v4, v5;
	_ =	sdelay $0x1  }
0xb7: {  	[tilespmem:s17+$0x17010] =	vst v4;
	v4 =	vld [tilespmem:s17+$0x11020]  }
0xb8: {  	v5 =	vld.idx.msk [tilespmem:v6+s7+$0x0], $0xffff  }
0xb9: {  	v6 =	vld [tilespmem:s17+$0x13030];
	_ =	sdelay $0x4  }
0xba: {  	v4 =	vmul.f32 v4, v5;
	_ =	sdelay $0x1  }
0xbb: {  	[tilespmem:s17+$0x17020] =	vst v4;
	v4 =	vld [tilespmem:s17+$0x11030]  }
0xbc: {  	v5 =	vld.idx.msk [tilespmem:v6+s7+$0x0], $0xffff  }
0xbd: {  	v6 =	vld [tilespmem:s17+$0x13040];
	_ =	sdelay $0x4  }
0xbe: {  	v4 =	vmul.f32 v4, v5;
	_ =	sdelay $0x1  }
0xbf: {  	[tilespmem:s17+$0x17030] =	vst v4;
	v4 =	vld [tilespmem:s17+$0x11040]  }
0xc0: {  	v5 =	vld.idx.msk [tilespmem:v6+s7+$0x0], $0xffff  }
0xc1: {  	v6 =	vld [tilespmem:s17+$0x13050];
	_ =	sdelay $0x4  }
0xc2: {  	v4 =	vmul.f32 v4, v5;
	_ =	sdelay $0x1  }
0xc3: {  	[tilespmem:s17+$0x17040] =	vst v4;
	v4 =	vld [tilespmem:s17+$0x11050]  }
0xc4: {  	v5 =	vld.idx.msk [tilespmem:v6+s7+$0x0], $0xffff  }
0xc5: {  	v6 =	vld [tilespmem:s17+$0x13060];
	_ =	sdelay $0x4  }
0xc6: {  	v4 =	vmul.f32 v4, v5;
	_ =	sdelay $0x1  }
0xc7: {  	[tilespmem:s17+$0x17050] =	vst v4;
	v4 =	vld [tilespmem:s17+$0x11060]  }
0xc8: {  	v5 =	vld.idx.msk [tilespmem:v6+s7+$0x0], $0xffff  }
0xc9: {  	v6 =	vld [tilespmem:s17+$0x13070];
	_ =	sdelay $0x4  }
0xca: {  	v4 =	vmul.f32 v4, v5;
	_ =	sdelay $0x1  }
0xcb: {  	[tilespmem:s17+$0x17060] =	vst v4;
	v4 =	vld [tilespmem:s17+$0x11070]  }
0xcc: {  	s21 =	simm.s32 $0x400;
	s22 =	simm.s32 $0x80;
	v5 =	vld.idx.msk [tilespmem:v6+s7+$0x0], $0xffff  }
.LBB2_7:
0xcd: {  	p1 =	sne.s32 s21, $0x3E00;
	v6 =	vld [tilespmem:s22+$0x13000];
	_ =	sdelay $0x4  }
0xce: {  	v4 =	vmul.f32 v4, v5;
	_ =	sdelay $0x1  }
0xcf: {  	v5 =	vld [tilespmem:s22+$0x11000];
	[tilespmem:s17+$0x17070] =	vst v4;
	s17 =	smov.u32 s22  }
0xd0: {  	v4 =	vld.idx.msk [tilespmem:v6+s7+$0x0], $0xffff  }
0xd1: {  	v6 =	vld [tilespmem:s17+$0x13010];
	_ =	sdelay $0x4  }
0xd2: {  	v4 =	vmul.f32 v5, v4;
	_ =	sdelay $0x1  }
0xd3: {  	[tilespmem:s17+$0x17000] =	vst v4;
	v4 =	vld [tilespmem:s17+$0x11010]  }
0xd4: {  	v5 =	vld.idx.msk [tilespmem:v6+s7+$0x0], $0xffff  }
0xd5: {  	v6 =	vld [tilespmem:s17+$0x13020];
	_ =	sdelay $0x4  }
0xd6: {  	v4 =	vmul.f32 v4, v5;
	_ =	sdelay $0x1  }
0xd7: {  	[tilespmem:s17+$0x17010] =	vst v4;
	v4 =	vld [tilespmem:s17+$0x11020]  }
0xd8: {  	v5 =	vld.idx.msk [tilespmem:v6+s7+$0x0], $0xffff  }
0xd9: {  	v6 =	vld [tilespmem:s17+$0x13030];
	_ =	sdelay $0x4  }
0xda: {  	v4 =	vmul.f32 v4, v5;
	_ =	sdelay $0x1  }
0xdb: {  	[tilespmem:s17+$0x17020] =	vst v4;
	v4 =	vld [tilespmem:s17+$0x11030]  }
0xdc: {  	v5 =	vld.idx.msk [tilespmem:v6+s7+$0x0], $0xffff  }
0xdd: {  	v6 =	vld [tilespmem:s17+$0x13040];
	_ =	sdelay $0x4  }
0xde: {  	v4 =	vmul.f32 v4, v5;
	_ =	sdelay $0x1  }
0xdf: {  	[tilespmem:s17+$0x17030] =	vst v4;
	v4 =	vld [tilespmem:s17+$0x11040]  }
0xe0: {  	v5 =	vld.idx.msk [tilespmem:v6+s7+$0x0], $0xffff  }
0xe1: {  	v6 =	vld [tilespmem:s17+$0x13050];
	_ =	sdelay $0x4  }
0xe2: {  	v4 =	vmul.f32 v4, v5;
	_ =	sdelay $0x1  }
0xe3: {  	[tilespmem:s17+$0x17040] =	vst v4;
	v4 =	vld [tilespmem:s17+$0x11050]  }
0xe4: {  	v5 =	vld.idx.msk [tilespmem:v6+s7+$0x0], $0xffff  }
0xe5: {  	v6 =	vld [tilespmem:s17+$0x13060];
	_ =	sdelay $0x4  }
0xe6: {  	v4 =	vmul.f32 v4, v5;
	_ =	sdelay $0x1  }
0xe7: {  	[tilespmem:s17+$0x17050] =	vst v4;
	v4 =	vld [tilespmem:s17+$0x11060]  }
0xe8: {  	v5 =	vld.idx.msk [tilespmem:v6+s7+$0x0], $0xffff  }
0xe9: {  	v6 =	vld [tilespmem:s17+$0x13070];
	_ =	sdelay $0x3  }
.Ltmp2:
0xea: {  	(pc) =	sbr.rel @p1 .LBB2_7-.Ltmp2, $3  }
0xeb: {  	v4 =	vmul.f32 v4, v5;
	_ =	sdelay $0x1  }
0xec: {  	[tilespmem:s17+$0x17060] =	vst v4;
	v4 =	vld [tilespmem:s17+$0x11070]  }
0xed: {  	s22 =	sshra.s32 s21, $0x2;
	s21 =	sadd.s32 $0x200, s21;
	v5 =	vld.idx.msk [tilespmem:v6+s7+$0x0], $0xffff  }
0xee: {  	v6 =	vld [tilespmem:s22+$0x13000];
	_ =	sdelay $0x3  }
0xef: {  	v4 =	vmul.f32 v4, v5;
	_ =	sdelay $0x1  }
0xf0: {  	v5 =	vld [tilespmem:s22+$0x11000];
	[tilespmem:s17+$0x17070] =	vst v4  }
0xf1: {  	v57 =	vld [tilespmem:s22+$0x13010]  }
0xf2: {  	v4 =	vld.idx.msk [tilespmem:v6+s7+$0x0], $0xffff;
	_ =	sdelay $0x4  }
0xf3: {  	v4 =	vmul.f32 v5, v4  }
0xf4: {  	v58 =	vld [tilespmem:s22+$0x13020]  }
0xf5: {  	[tilespmem:s22+$0x17000] =	vst v4;
	v4 =	vld [tilespmem:s22+$0x11010]  }
0xf6: {  	v5 =	vld.idx.msk [tilespmem:v57+s7+$0x0], $0xffff;
	_ =	sdelay $0x4  }
0xf7: {  	v4 =	vmul.f32 v4, v5  }
0xf8: {  	v59 =	vld [tilespmem:s22+$0x13030]  }
0xf9: {  	[tilespmem:s22+$0x17010] =	vst v4;
	v4 =	vld [tilespmem:s22+$0x11020]  }
0xfa: {  	v5 =	vld.idx.msk [tilespmem:v58+s7+$0x0], $0xffff;
	_ =	sdelay $0x4  }
0xfb: {  	v4 =	vmul.f32 v4, v5  }
0xfc: {  	v60 =	vld [tilespmem:s22+$0x13040]  }
0xfd: {  	[tilespmem:s22+$0x17020] =	vst v4;
	v4 =	vld [tilespmem:s22+$0x11030]  }
0xfe: {  	v5 =	vld.idx.msk [tilespmem:v59+s7+$0x0], $0xffff;
	_ =	sdelay $0x4  }
0xff: {  	v4 =	vmul.f32 v4, v5  }
0x100: {  	v61 =	vld [tilespmem:s22+$0x13050]  }
0x101: {  	[tilespmem:s22+$0x17030] =	vst v4;
	v4 =	vld [tilespmem:s22+$0x11040]  }
0x102: {  	v5 =	vld.idx.msk [tilespmem:v60+s7+$0x0], $0xffff;
	_ =	sdelay $0x4  }
0x103: {  	v4 =	vmul.f32 v4, v5  }
0x104: {  	v62 =	vld [tilespmem:s22+$0x13060]  }
0x105: {  	[tilespmem:s22+$0x17040] =	vst v4;
	v4 =	vld [tilespmem:s22+$0x11050]  }
0x106: {  	v5 =	vld.idx.msk [tilespmem:v61+s7+$0x0], $0xffff;
	_ =	sdelay $0x4  }
0x107: {  	v4 =	vmul.f32 v4, v5  }
0x108: {  	v63 =	vld [tilespmem:s22+$0x13070]  }
0x109: {  	[tilespmem:s22+$0x17050] =	vst v4;
	v4 =	vld [tilespmem:s22+$0x11060]  }
0x10a: {  	v5 =	vld.idx.msk [tilespmem:v62+s7+$0x0], $0xffff;
	_ =	sdelay $0x4  }
0x10b: {  	v4 =	vmul.f32 v4, v5;
	_ =	sdelay $0x1  }
0x10c: {  	[tilespmem:s22+$0x17060] =	vst v4;
	v4 =	vld [tilespmem:s22+$0x11070]  }
0x10d: {  	v5 =	vld.idx.msk [tilespmem:v63+s7+$0x0], $0xffff;
	_ =	sdelay $0x4  }
0x10e: {  	v4 =	vmul.f32 v4, v5  }
0x10f: {  	p1 =	seq.s32 s16, $0xF  }
.Ltmp3:
0x110: {  	[tilespmem:s22+$0x17070] =	vst v4;
	(pc) =	sbr.rel @p1 .LBB2_10-.Ltmp3, $4  }
0x111: {  	[spmem:s6] =	stream.indirect.scatter.add.f32 [tilespmem:s12], [sflag:$0x4], $0x1, s5, s9, $0xb8;
	[tilespmem:$0x1A200] =	vst v63  }
0x112: {  	_ =	swait.ge [sflag:s13], $0x1000  }
0x113: {  	[sflag:s13] =	ssyncset.done $0x0  }
0x114: {  	[sflag:s13] =	ssyncadd.s32 $0xFFFFF000  }
0x115: {  	s17 =	sshll.u32 s16, $0xD  }
0x116: {  	s21 =	sadd.s32 s17, s18  }
0x117: {  	s21 =	sshrl.u32 s21, $0x3  }
0x118: {  	s22 =	sadd.s32 s2, s21  }
0x119: {  	[tilespmem:s29], [sflag:$0x1] =	stream.linear.gather [hbm4b:s22+s7], $0x1000, $0x38;
	[tilespmem:$0x1A200] =	vst v63  }
0x11a: {  	s23 =	sadd.s32 s3, s21  }
0x11b: {  	[tilespmem:s30], [sflag:$0x1] =	stream.linear.gather [hbm4b:s23+s7], $0x1000, $0x38;
	[tilespmem:$0x1A200] =	vst v63  }
0x11c: {  	s21 =	sadd.s32 s4, s21  }
0x11d: {  	[tilespmem:s31], [sflag:$0x1] =	stream.linear.gather [hbm4b:s21+s7], $0x1000, $0x38;
	[tilespmem:$0x1A200] =	vst v63  }
0x11e: {  	s17 =	sadd.s32 s17, s19;
	_ =	swait.ge [sflag:s14], $0x1000  }
0x11f: {  	s17 =	sshrl.u32 s17, $0x3;
	[sflag:s14] =	ssyncset.done $0x0  }
0x120: {  	s24 =	sadd.s32 s2, s17;
	[sflag:s14] =	ssyncadd.s32 $0xFFFFF000  }
0x121: {  	[tilespmem:s1], [sflag:$0x2] =	stream.linear.gather [hbm4b:s24+s7], $0x1000, $0x38;
	[tilespmem:$0x1A200] =	vst v63  }
.Ltmp4:
0x122: {  	_ = 	snop;
	(pc) =	sbr.rel .LBB2_4-.Ltmp4, $4  }
0x123: {  	s25 =	sadd.s32 s3, s17  }
0x124: {  	[tilespmem:s0], [sflag:$0x2] =	stream.linear.gather [hbm4b:s25+s7], $0x1000, $0x38;
	[tilespmem:$0x1A200] =	vst v63  }
0x125: {  	s16 =	sadd.s32 $0x1, s16;
	s17 =	sadd.s32 s4, s17  }
0x126: {  	[tilespmem:s5], [sflag:$0x2] =	stream.linear.gather [hbm4b:s17+s7], $0x1000, $0x38;
	[tilespmem:$0x1A200] =	vst v63  }
.LBB2_10:
0x127: {  	_ =	swait.ge [sflag:s14], $0x1000  }
0x128: {  	[sflag:s14] =	ssyncset.done $0x0  }
0x129: {  	s16 =	simm.s32 $0x0;
	s11 =	rddreg [dreg:$0x11];
	[sflag:s14] =	ssyncadd.s32 $0xFFFFF000  }
0x12a: {  	[tilespmem:s29], [sflag:$0x1] =	stream.linear.gather [hbm4b:s11+s16], $0x1000, $0x38;
	[tilespmem:$0x1A200] =	vst v63  }
0x12b: {  	s24 =	rddreg [dreg:$0x12]  }
0x12c: {  	[tilespmem:s30], [sflag:$0x1] =	stream.linear.gather [hbm4b:s24+s16], $0x1000, $0x38;
	[tilespmem:$0x1A200] =	vst v63  }
0x12d: {  	s25 =	rddreg [dreg:$0x13]  }
0x12e: {  	[tilespmem:s31], [sflag:$0x1] =	stream.linear.gather [hbm4b:s25+s16], $0x1000, $0x38;
	[tilespmem:$0x1A200] =	vst v63  }
0x12f: {  	_ =	swait.ge [sflag:s26], $0x1000  }
0x130: {  	[sflag:s26] =	ssyncset.done $0x0  }
0x131: {  	[sflag:s26] =	ssyncadd.s32 $0xFFFFF000  }
0x132: {  	_ =	swait.ge [sflag:s26], $0x1000  }
0x133: {  	[sflag:s26] =	ssyncset.done $0x0  }
0x134: {  	[sflag:s26] =	ssyncadd.s32 $0xFFFFF000  }
0x135: {  	_ =	swait.ge [sflag:s26], $0x1000  }
0x136: {  	[sflag:s26] =	ssyncset.done $0x0  }
0x137: {  	[sflag:s26] =	ssyncadd.s32 $0xFFFFF000  }
.LBB2_11:
0x138: {  	s17 =	sshll.u32 s16, $0x7;
	p1 =	por $0x1, $0x1;
	s24 =	simm.s32 $0x0  }
0x139: {  	s21 =	sor.u32 $0x10, s17;
	s22 =	sor.u32 $0x20, s17;
	s23 =	sor.u32 $0x30, s17  }
.LBB2_12:
0x13a: {  	s25 =	sor.u32 s17, s24  }
0x13b: {  	v4 =	vld [tilespmem:s25+$0x12000];
	_ =	sdelay $0x6  }
0x13c: {  	v5 =	vld [tilespmem:s25+$0x10000]  }
0x13d: {  	v4 =	vld.idx.msk [tilespmem:v4+s7+$0x0], $0xffff;
	_ =	sdelay $0x2  }
0x13e: {  	s11 =	sadd.s32 s20, s25  }
0x13f: {  	v6 =	vadd.s32 s11, v3  }
0x140: {  	vm1 =	vge.u32 v6, v0;
	vm2 =	vlt.u32 v6, v1;
	v4 =	vmul.f32 v5, v4  }
0x141: {  	vm1 =	vmand vm1, vm2  }
0x142: {  	v4 =	vnsel vm1, $0x0, v4  }
0x143: {  	s11 =	sor.u32 s21, s24;
	[tilespmem:s25+$0x16000] =	vst v4  }
0x144: {  	v4 =	vld [tilespmem:s11+$0x12000];
	_ =	sdelay $0x6  }
0x145: {  	v5 =	vld [tilespmem:s11+$0x10000]  }
0x146: {  	v4 =	vld.idx.msk [tilespmem:v4+s7+$0x0], $0xffff;
	_ =	sdelay $0x2  }
0x147: {  	s25 =	sadd.s32 s20, s11  }
0x148: {  	v61 =	vadd.s32 s25, v3  }
0x149: {  	vm1 =	vge.u32 v61, v0;
	vm2 =	vlt.u32 v61, v1;
	v4 =	vmul.f32 v5, v4  }
0x14a: {  	vm1 =	vmand vm1, vm2  }
0x14b: {  	v4 =	vnsel vm1, $0x0, v4  }
0x14c: {  	[tilespmem:s11+$0x16000] =	vst v4;
	s11 =	sor.u32 s22, s24  }
0x14d: {  	v4 =	vld [tilespmem:s11+$0x12000];
	_ =	sdelay $0x6  }
0x14e: {  	v5 =	vld [tilespmem:s11+$0x10000]  }
0x14f: {  	v4 =	vld.idx.msk [tilespmem:v4+s7+$0x0], $0xffff;
	_ =	sdelay $0x2  }
0x150: {  	s25 =	sadd.s32 s20, s11  }
0x151: {  	v62 =	vadd.s32 s25, v3  }
0x152: {  	vm1 =	vge.u32 v62, v0;
	vm2 =	vlt.u32 v62, v1;
	v4 =	vmul.f32 v5, v4  }
0x153: {  	vm1 =	vmand vm1, vm2  }
0x154: {  	v4 =	vnsel vm1, $0x0, v4  }
0x155: {  	s25 =	sor.u32 s23, s24;
	[tilespmem:s11+$0x16000] =	vst v4  }
0x156: {  	v4 =	vld [tilespmem:s25+$0x12000];
	_ =	sdelay $0x6  }
0x157: {  	v5 =	vld [tilespmem:s25+$0x10000]  }
0x158: {  	v4 =	vld.idx.msk [tilespmem:v4+s7+$0x0], $0xffff;
	_ =	sdelay $0x2  }
0x159: {  	p2 =	por p1, p1;
	s24 =	sadd.s32 s20, s25  }
.Ltmp5:
0x15a: {  	v63 =	vadd.s32 s24, v3;
	(pc) =	sbr.rel @p2 .LBB2_12-.Ltmp5, $4  }
0x15b: {  	vm2 =	vlt.u32 v63, v1;
	vm1 =	vge.u32 v63, v0;
	v4 =	vmul.f32 v5, v4  }
0x15c: {  	vm1 =	vmand vm1, vm2  }
0x15d: {  	v4 =	vnsel vm1, $0x0, v4  }
0x15e: {  	p1 =	por $0x0, $0x0;
	s24 =	simm.s32 $0x40;
	[tilespmem:s25+$0x16000] =	vst v4  }
0x15f: {  	s16 =	sadd.s32 $0x1, s16  }
0x160: {  	p1 =	sne.s32 s16, $0x20  }
.Ltmp6:
0x161: {  	_ = 	snop;
	(pc) =	sbr.rel @p1 .LBB2_11-.Ltmp6, $1  }
0x162: {  	_ =	sdelay $0x3  }
0x163: {  	[spmem:s6] =	stream.indirect.scatter.add.f32 [tilespmem:s8], [sflag:$0x3], $0x1, s31, s9, $0xb8;
	[tilespmem:$0x1A200] =	vst v63  }
0x164: {  	s11 =	simm.s32 @!p0 $0x0;
	s16 =	simm.s32 @!p0 $0x18000;
	s17 =	rddreg [dreg:$0x4]  }
0x165: {  	[tilespmem:s16], [sflag:$0x5] =	stream.linear.gather @!p0 [hbm4b:s17+s11], $0x80, $0x38;
	[tilespmem:$0x1A200] =	vst v63  }
0x166: {  	s16 =	simm.s32 @!p0 $0x5  }
0x167: {  	_ =	swait.ge @!p0 [sflag:s16], $0x80  }
0x168: {  	[sflag:s16] =	ssyncset.done @!p0 $0x0  }
0x169: {  	s17 =	simm.s32 @!p0 $0x18080;
	s21 =	rddreg [dreg:$0x8];
	[sflag:s16] =	ssyncadd.s32 @!p0 $0xFFFFFF80  }
0x16a: {  	[tilespmem:s17], [sflag:$0x5] =	stream.linear.gather @!p0 [hbm4b:s21+s11], $0x80, $0x38;
	[tilespmem:$0x1A200] =	vst v63  }
0x16b: {  	_ =	swait.ge @!p0 [sflag:s16], $0x80  }
0x16c: {  	[sflag:s16] =	ssyncset.done @!p0 $0x0  }
0x16d: {  	s17 =	simm.s32 @!p0 $0x18100;
	s21 =	rddreg [dreg:$0x9];
	[sflag:s16] =	ssyncadd.s32 @!p0 $0xFFFFFF80  }
0x16e: {  	[tilespmem:s17], [sflag:$0x5] =	stream.linear.gather @!p0 [hbm4b:s21+s11], $0x80, $0x38;
	[tilespmem:$0x1A200] =	vst v63  }
0x16f: {  	_ =	swait.ge @!p0 [sflag:s16], $0x80  }
0x170: {  	[sflag:s16] =	ssyncset.done @!p0 $0x0  }
0x171: {  	[sflag:s16] =	ssyncadd.s32 @!p0 $0xFFFFFF80  }
0x172: {  	v4 =	vld @!p0 [tilespmem:$0x18080];
	_ =	sdelay $0x6  }
0x173: {  	v5 =	vld @!p0 [tilespmem:$0x18000]  }
0x174: {  	v4 =	vld.idx.msk @!p0 [tilespmem:v4+s11+$0x0], $0xffff;
	_ =	sdelay $0x4  }
0x175: {  	v4 =	vmul.f32 @!p0 v5, v4;
	_ =	sdelay $0x1  }
0x176: {  	v4 =	vsel @!p0 vm0, $0x0, v4  }
0x177: {  	s16 =	simm.s32 @!p0 $0x18180;
	s11 =	simm.s32 @!p0 $0x10;
	[tilespmem:$0x18180] =	vst @!p0 v4  }
0x178: {  	[spmem:s6] =	stream.indirect.scatter.add.f32 @!p0 [tilespmem:s16], [sflag:$0x4], $0x1, s17, s11, $0xb8;
	[tilespmem:$0x1A200] =	vst v63  }
0x179: {  	s11 =	simm.s32 @!p0 $0x4  }
0x17a: {  	_ =	swait.ge @!p0 [sflag:s11], $0x10  }
0x17b: {  	[sflag:s11] =	ssyncset.done @!p0 $0x0  }
0x17c: {  	[sflag:s11] =	ssyncadd.s32 @!p0 $0xFFFFFFF0  }
0x17d: {  	_ =	swait.ge [sflag:s13], $0x1000  }
0x17e: {  	[sflag:s13] =	ssyncset.done $0x0  }
0x17f: {  	[sflag:s13] =	ssyncadd.s32 $0xFFFFF000  }
0x180: {  	s22 =	simm.s32 $0x20;
	s16 =	stileid.u32;
	[bflag:$0x0] =	sbarrier.arrive $0xFFFF  }
0x181: {  	s23 =	simm.s32 $0x10;
	s11 =	sshll.u32 s16, $0x6;
	s21 =	rddreg [dreg:$0xa]  }
0x182: {  	s11 =	sor.u32 $0x1C05, s11;
	s24 =	rddreg [dreg:$0x14];
	s17 =	sshrl.u32 s21, $0x3  }
0x183: {  	[hbm:s24@s22], [sflag:s11] =	dma.strided [spmem:s17@s23], $0x200, s26, $0x10   }
0x184: {  	_ =	swait.ge [sflag:s28], $0x200  }
0x185: {  	s15 =	sadd.s32 $0x1, s15;
	s25 =	rddreg [dreg:$0x15]  }
0x186: {  	p1 =	sne.s32 s15, s25  }
.Ltmp7:
0x187: {  	_ = 	snop;
	(pc) =	sbr.rel @p1 .LBB2_1-.Ltmp7, $3  }
0x188: {  	_ =	sdelay $0x1  }
0x189: {  	[sflag:s28] =	ssyncset.done $0x0  }
0x18a: {  	[sflag:s28] =	ssyncadd.s32 $0xFFFFFE00  }
0x18b: {  	_ =	sfence.sel $0x180000  }
0x18c: {  	[bflag:$0x0] =	sbarrier.arrive $0xFFFF  }
0x18d: {  	_ =	strace $0x90000047  }
0x18e: {  	s0 =	stileid.u32;
	[bflag:$0x2] =	sbarrier.arrive $0xFFFF  }
0x18f: {  	p0 =	sne.s32 s0, $0x0;
	s0 =	rddreg [dreg:$0x7]  }
0x190: {  	s0 =	sadd.s32 @!p0 $0x100000, s0  }
0x191: {  	[sflag:s0] =	ssyncadd.tile.s32 @!p0 $0x1;
	_ =	shalt  }
.Lfunc_end2:
_tile_overlayer_lowered:
.L_overlay_start_2:
0x192: {  	(tag) =	ssettag $0x2  }
0x193: {  	s0 =	rddreg [dreg:$0x0];
	s2 =	stileid.u32  }
0x194: {  	s1 =	rddreg [dreg:$0x1];
	p0 =	sne.s32 s2, $0x0  }
0x195: {  	s3 =	rddreg [dreg:$0x2];
	[bflag:$0x3] =	sbarrier.arrive $0xFFFF;
	s2 =	simm.s32 @!p0 $0x1C05  }
0x196: {  	[timem:s3], [sflag:s2] =	dma.local @!p0 [hbm:s0], s1  }
0x197: {  	s0 =	simm.s32 @!p0 $0x5  }
0x198: {  	_ =	swait.ge @!p0 [sflag:s0], s1  }
0x199: {  	s1 =	ssub.s32 @!p0 $0x0, s1;
	[sflag:s0] =	ssyncset.done @!p0 $0x0  }
0x19a: {  	[sflag:s0] =	ssyncadd.s32 @!p0 s1  }
0x19b: {  	[bflag:$0x3] =	sbarrier.arrive $0xFFFF  }
0x19c: {  	_ =	shalt  }

</sc_bundles>
